<compile_context>
chip_gen: v7x
topology: tpu7x:2x2x1
jax: 0.10.2.dev20260603
libtpu: 0.0.44.dev20260713+nightly
codegen_flags: <defaults>
</compile_context>

<pallas_src>
import functools

import jax
import jax.numpy as jnp
from jax import lax
from jax.experimental import pallas as pl
from jax.experimental.pallas import tpu as pltpu
from jax.experimental.pallas import tpu_sc as plsc

B = 320000
V = 10000
D = 128
NC = 2
NS = 16
NW = NC * NS
PER_W = B // NW
CHUNK = 80
NCHUNK = PER_W // CHUNK

SHARE = 624
TAIL = V - NS * SHARE
HBM_WARM = 8


def _gather_body(idx_hbm, x_hbm, out_hbm, idx_v, shared, buf0, buf1,
                 gsem0, gsem1, ssem0, ssem1, psem):
    bufs = (buf0, buf1)
    gsems = (gsem0, gsem1)
    ssems = (ssem0, ssem1)
    sid = lax.axis_index("s")
    wid = sid * NC + lax.axis_index("c")
    base = wid * PER_W

    srow = pl.multiple_of(sid * SHARE, SHARE)
    pltpu.async_copy(x_hbm.at[pl.ds(srow, SHARE)],
                     shared.at[pl.ds(srow, SHARE)], psem)
    @pl.when(sid == NS - 1)
    def _():
        pltpu.async_copy(x_hbm.at[pl.ds(NS * SHARE, TAIL)],
                         shared.at[pl.ds(NS * SHARE, TAIL)], psem)
    pltpu.sync_copy(idx_hbm.at[pl.ds(base, PER_W)], idx_v)

    def wait_preload():
        pltpu.make_async_copy(x_hbm.at[pl.ds(srow, SHARE)],
                              shared.at[pl.ds(srow, SHARE)], psem).wait()
        @pl.when(sid == NS - 1)
        def _():
            pltpu.make_async_copy(x_hbm.at[pl.ds(NS * SHARE, TAIL)],
                                  shared.at[pl.ds(NS * SHARE, TAIL)],
                                  psem).wait()

    def fire_gather(m, b, src):
        off = pl.multiple_of(m * CHUNK, CHUNK)
        pltpu.async_copy(src.at[idx_v.at[pl.ds(off, CHUNK)]], bufs[b], gsems[b])

    def drain_gather(m, b, src):
        off = pl.multiple_of(m * CHUNK, CHUNK)
        pltpu.make_async_copy(
            src.at[idx_v.at[pl.ds(off, CHUNK)]], bufs[b], gsems[b]).wait()

    def start_store(m, b):
        off = pl.multiple_of(m * CHUNK, CHUNK)
        pltpu.async_copy(bufs[b], out_hbm.at[pl.ds(base + off, CHUNK)], ssems[b])

    def wait_store(m, b):
        off = pl.multiple_of(m * CHUNK, CHUNK)
        pltpu.make_async_copy(
            bufs[b], out_hbm.at[pl.ds(base + off, CHUNK)], ssems[b]).wait()

    fire_gather(0, 0, x_hbm)

    for m in range(HBM_WARM):
        b, o = m % 2, 1 - m % 2
        if m >= 1:
            wait_store(m - 1, b=o)
        if m == HBM_WARM - 1:
            wait_preload()
            plsc.subcore_barrier()
        fire_gather(m + 1, o, shared if m + 1 >= HBM_WARM else x_hbm)
        drain_gather(m, b, x_hbm)
        start_store(m, b)

    def step(m, carry):
        def do(b, o):
            def prefetch():
                wait_store(m - 1, o)
                fire_gather(m + 1, o, shared)
            pl.when(m < NCHUNK - 1)(prefetch)
            drain_gather(m, b, shared)
            start_store(m, b)
        pl.when(m % 2 == 0)(lambda: do(0, 1))
        pl.when(m % 2 == 1)(lambda: do(1, 0))
        return carry

    lax.fori_loop(HBM_WARM, NCHUNK, step, 0, unroll=False)
    wait_store(NCHUNK - 2, (NCHUNK - 2) % 2)
    wait_store(NCHUNK - 1, (NCHUNK - 1) % 2)


@jax.jit
def _gather(indexes, x):
    mesh = plsc.VectorSubcoreMesh(core_axis_name="c", subcore_axis_name="s")
    kfn = functools.partial(
        pl.kernel,
        mesh=mesh,
        out_type=jax.ShapeDtypeStruct((B, D), jnp.float32),
        scratch_types=(
            [pltpu.VMEM((PER_W,), jnp.int32)]
            + [pltpu.VMEM_SHARED((V, D), jnp.float32)]
            + [pltpu.VMEM((CHUNK, D), jnp.float32) for _ in range(2)]
            + [pltpu.SemaphoreType.DMA for _ in range(5)]
        ),
    )(_gather_body)
    return kfn(indexes, x)


def kernel(indexes, x):
    return _gather(indexes, x)

# --- scband reference (transcript-rebuilt; emitter-appended) ---
"""Pipeline reference for scband-view-indexator-28724741276011 (READ-ONLY COPY).

The authoritative reference and input builder live on the scoring server;
editing this copy changes nothing except your own understanding.
"""

import jax, jax.numpy as jnp
import numpy as np


def setup_inputs(seed: int = 0) -> dict:
    key = jax.random.key(seed)
    k1, k2 = jax.random.split(key)
    indexes = jax.random.randint(k1, (320000,), 0, 10000, dtype=jnp.int32)
    x = jax.random.normal(k2, (10000, 128), dtype=jnp.float32)
    return {"indexes": indexes, "x": x}


def _is_increasing_sequence(indexes):
    if indexes.shape[0] < 2:
        return jnp.asarray(True)
    return jnp.all(indexes[1:] - indexes[:-1] == 1)


def reference(indexes, x):
    # Faithful port of ViewIndexator.single_indexation with args=(x,)
    if indexes.shape[0] == x.shape[0]:
        return x
    n = indexes.shape[0]
    gathered = jnp.take(x, indexes, axis=0)
    if n <= x.shape[0]:
        start = indexes[0] - 1
        sliced = jax.lax.dynamic_slice(x, (start, 0), (n, x.shape[1]))
        return jnp.where(_is_increasing_sequence(indexes), sliced, gathered)
    return gathered

if __name__ == "__main__":
    import jax
    _d = setup_inputs()
    print(jax.jit(kernel)(*tuple(_d.values())))

</pallas_src>

<mosaic_0001>
#map = affine_map<(d0, d1) -> (0)>
#map1 = affine_map<(d0, d1) -> (0, 0)>
module attributes {stable_mosaic.version = 14 : i64} {
  func.func @_gather_body(%arg0: i32, %arg1: i32, %arg2: memref<320000xi32, #tpu.memory_space<hbm>>, %arg3: memref<10000x128xf32, #tpu.memory_space<hbm>>, %arg4: memref<320000x128xf32, #tpu.memory_space<hbm>>, %arg5: memref<10000xi32, #tpu.memory_space<vmem>>, %arg6: memref<10000x128xf32, #tpu.memory_space<vmem_shared>>, %arg7: memref<80x128xf32, #tpu.memory_space<vmem>>, %arg8: memref<80x128xf32, #tpu.memory_space<vmem>>, %arg9: memref<!tpu.dma_semaphore, #tpu.memory_space<semaphore_mem>>, %arg10: memref<!tpu.dma_semaphore, #tpu.memory_space<semaphore_mem>>, %arg11: memref<!tpu.dma_semaphore, #tpu.memory_space<semaphore_mem>>, %arg12: memref<!tpu.dma_semaphore, #tpu.memory_space<semaphore_mem>>, %arg13: memref<!tpu.dma_semaphore, #tpu.memory_space<semaphore_mem>>) attributes {dimension_semantics = [#tpu.dimension_semantics<core_parallel>, #tpu.dimension_semantics<subcore_parallel>], iteration_bounds = array<i64: 2, 16>, scalar_prefetch = 0 : i64, scratch_operands = 9 : i64, tpu.core_type = #tpu.core_type<sc_vector_subcore>, window_params = [{transform_indices = #map}, {transform_indices = #map1}, {transform_indices = #map1}]} {
    %mul3A = arith.constant 2 : i32
    %mul3A_0 = arith.muli %arg1, %mul3A : i32
    %add3A = arith.addi %mul3A_0, %arg0 : i32
    %mul3A_1 = arith.constant 10000 : i32
    %mul3A_2 = arith.muli %add3A, %mul3A_1 : i32
    %mul3A_3 = arith.constant 624 : i32
    %mul3A_4 = arith.muli %arg1, %mul3A_3 : i32
    %multiple_of3A = tpu.assume_multiple %mul3A_4, 624 : i32
    %dma_start3A = arith.constant 0 : i32
    %dma_start3A_5 = tpu.memref_slice %arg6[%multiple_of3A, %dma_start3A] : memref<10000x128xf32, #tpu.memory_space<vmem_shared>> -> memref<624x128xf32, #tpu.memory_space<vmem_shared>>
    %dma_start3A_6 = arith.constant 0 : i32
    %dma_start3A_7 = tpu.memref_slice %arg3[%multiple_of3A, %dma_start3A_6] : memref<10000x128xf32, #tpu.memory_space<hbm>> -> memref<624x128xf32, #tpu.memory_space<hbm>>
    tpu.enqueue_dma source(%dma_start3A_7 : memref<624x128xf32, #tpu.memory_space<hbm>>) target(%dma_start3A_5 : memref<624x128xf32, #tpu.memory_space<vmem_shared>>) target_semaphore(%arg13 : memref<!tpu.dma_semaphore, #tpu.memory_space<semaphore_mem>>)
    %eq3A = arith.constant 15 : i32
    %eq3A_8 = arith.cmpi eq, %arg1, %eq3A : i32
    %convert_element_type3A = arith.extui %eq3A_8 : i1 to i32
    %cond3A = arith.constant 0 : i32
    %cond3A_9 = arith.cmpi ne, %convert_element_type3A, %cond3A : i32
    scf.if %cond3A_9 {
      %dma_start3A_244 = arith.constant 9984 : i32
      %dma_start3A_245 = arith.constant 0 : i32
      %dma_start3A_246 = tpu.memref_slice %arg6[%dma_start3A_244, %dma_start3A_245] : memref<10000x128xf32, #tpu.memory_space<vmem_shared>> -> memref<16x128xf32, #tpu.memory_space<vmem_shared>>
      %dma_start3A_247 = arith.constant 9984 : i32
      %dma_start3A_248 = arith.constant 0 : i32
      %dma_start3A_249 = tpu.memref_slice %arg3[%dma_start3A_247, %dma_start3A_248] : memref<10000x128xf32, #tpu.memory_space<hbm>> -> memref<16x128xf32, #tpu.memory_space<hbm>>
      tpu.enqueue_dma source(%dma_start3A_249 : memref<16x128xf32, #tpu.memory_space<hbm>>) target(%dma_start3A_246 : memref<16x128xf32, #tpu.memory_space<vmem_shared>>) target_semaphore(%arg13 : memref<!tpu.dma_semaphore, #tpu.memory_space<semaphore_mem>>)
    } else {
    }
    "tpu.region"() ({
      %run_scoped3A = tpu.sem_alloc : memref<!tpu.dma_semaphore, #tpu.memory_space<semaphore_mem>>
      %dma_start3A_244 = tpu.memref_slice %arg2[%mul3A_2] : memref<320000xi32, #tpu.memory_space<hbm>> -> memref<10000xi32, #tpu.memory_space<hbm>>
      %dma_start3A_245 = tpu.memref_slice %arg2[%mul3A_2] : memref<320000xi32, #tpu.memory_space<hbm>> -> memref<10000xi32, #tpu.memory_space<hbm>>
      tpu.enqueue_dma source(%dma_start3A_245 : memref<10000xi32, #tpu.memory_space<hbm>>) target(%arg5 : memref<10000xi32, #tpu.memory_space<vmem>>) target_semaphore(%run_scoped3A : memref<!tpu.dma_semaphore, #tpu.memory_space<semaphore_mem>>)
      %dma_wait3A_246 = tpu.memref_slice %arg2[%mul3A_2] : memref<320000xi32, #tpu.memory_space<hbm>> -> memref<10000xi32, #tpu.memory_space<hbm>>
      %dma_wait3A_247 = tpu.memref_slice %arg2[%mul3A_2] : memref<320000xi32, #tpu.memory_space<hbm>> -> memref<10000xi32, #tpu.memory_space<hbm>>
      tpu.wait_dma2 semaphore(%run_scoped3A : memref<!tpu.dma_semaphore, #tpu.memory_space<semaphore_mem>>) src(%dma_wait3A_247 : memref<10000xi32, #tpu.memory_space<hbm>>) dst(%arg5 : memref<10000xi32, #tpu.memory_space<vmem>>)
      tpu.yield
    }) : () -> ()
    %multiple_of3A_10 = arith.constant 0 : i32
    %multiple_of3A_11 = tpu.assume_multiple %multiple_of3A_10, 80 : i32
    %dma_start3A_12 = tpu.memref_slice %arg5[%multiple_of3A_11] : memref<10000xi32, #tpu.memory_space<vmem>> -> memref<80xi32, #tpu.memory_space<vmem>>
    %dma_start3A_13 = arith.constant 0 : i32
    %dma_start3A_14 = arith.constant 0 : i32
    %dma_start3A_15 = tpu.memref_slice %arg3[%dma_start3A_13, %dma_start3A_14] : memref<10000x128xf32, #tpu.memory_space<hbm>> -> memref<10000x128xf32, #tpu.memory_space<hbm>>
    tpu.enqueue_indirect_dma source(%dma_start3A_15 : memref<10000x128xf32, #tpu.memory_space<hbm>>) target(%arg7 : memref<80x128xf32, #tpu.memory_space<vmem>>) offsets(%dma_start3A_12 : memref<80xi32, #tpu.memory_space<vmem>>) semaphore(%arg9 : memref<!tpu.dma_semaphore, #tpu.memory_space<semaphore_mem>>)
    %multiple_of3A_16 = arith.constant 80 : i32
    %multiple_of3A_17 = tpu.assume_multiple %multiple_of3A_16, 80 : i32
    %dma_start3A_18 = tpu.memref_slice %arg5[%multiple_of3A_17] : memref<10000xi32, #tpu.memory_space<vmem>> -> memref<80xi32, #tpu.memory_space<vmem>>
    %dma_start3A_19 = arith.constant 0 : i32
    %dma_start3A_20 = arith.constant 0 : i32
    %dma_start3A_21 = tpu.memref_slice %arg3[%dma_start3A_19, %dma_start3A_20] : memref<10000x128xf32, #tpu.memory_space<hbm>> -> memref<10000x128xf32, #tpu.memory_space<hbm>>
    tpu.enqueue_indirect_dma source(%dma_start3A_21 : memref<10000x128xf32, #tpu.memory_space<hbm>>) target(%arg8 : memref<80x128xf32, #tpu.memory_space<vmem>>) offsets(%dma_start3A_18 : memref<80xi32, #tpu.memory_space<vmem>>) semaphore(%arg10 : memref<!tpu.dma_semaphore, #tpu.memory_space<semaphore_mem>>)
    %multiple_of3A_22 = arith.constant 0 : i32
    %multiple_of3A_23 = tpu.assume_multiple %multiple_of3A_22, 80 : i32
    %dma_wait3A = tpu.memref_slice %arg5[%multiple_of3A_23] : memref<10000xi32, #tpu.memory_space<vmem>> -> memref<80xi32, #tpu.memory_space<vmem>>
    %dma_wait3A_24 = arith.constant 0 : i32
    %dma_wait3A_25 = arith.constant 0 : i32
    %dma_wait3A_26 = tpu.memref_slice %arg3[%dma_wait3A_24, %dma_wait3A_25] : memref<10000x128xf32, #tpu.memory_space<hbm>> -> memref<10000x128xf32, #tpu.memory_space<hbm>>
    tpu.wait_indirect_dma semaphore(%arg9 : memref<!tpu.dma_semaphore, #tpu.memory_space<semaphore_mem>>) src(%dma_wait3A_26 : memref<10000x128xf32, #tpu.memory_space<hbm>>) dst(%arg7 : memref<80x128xf32, #tpu.memory_space<vmem>>)
    %multiple_of3A_27 = arith.constant 0 : i32
    %multiple_of3A_28 = tpu.assume_multiple %multiple_of3A_27, 80 : i32
    %add3A_29 = arith.addi %mul3A_2, %multiple_of3A_28 : i32
    %dma_start3A_30 = arith.constant 0 : i32
    %dma_start3A_31 = tpu.memref_slice %arg4[%add3A_29, %dma_start3A_30] : memref<320000x128xf32, #tpu.memory_space<hbm>> -> memref<80x128xf32, #tpu.memory_space<hbm>>
    %dma_start3A_32 = arith.constant 0 : i32
    %dma_start3A_33 = tpu.memref_slice %arg4[%add3A_29, %dma_start3A_32] : memref<320000x128xf32, #tpu.memory_space<hbm>> -> memref<80x128xf32, #tpu.memory_space<hbm>>
    tpu.enqueue_dma source(%arg7 : memref<80x128xf32, #tpu.memory_space<vmem>>) target(%dma_start3A_33 : memref<80x128xf32, #tpu.memory_space<hbm>>) target_semaphore(%arg11 : memref<!tpu.dma_semaphore, #tpu.memory_space<semaphore_mem>>)
    %multiple_of3A_34 = arith.constant 0 : i32
    %multiple_of3A_35 = tpu.assume_multiple %multiple_of3A_34, 80 : i32
    %add3A_36 = arith.addi %mul3A_2, %multiple_of3A_35 : i32
    %dma_wait3A_37 = arith.constant 0 : i32
    %dma_wait3A_38 = tpu.memref_slice %arg4[%add3A_36, %dma_wait3A_37] : memref<320000x128xf32, #tpu.memory_space<hbm>> -> memref<80x128xf32, #tpu.memory_space<hbm>>
    %dma_wait3A_39 = arith.constant 0 : i32
    %dma_wait3A_40 = tpu.memref_slice %arg4[%add3A_36, %dma_wait3A_39] : memref<320000x128xf32, #tpu.memory_space<hbm>> -> memref<80x128xf32, #tpu.memory_space<hbm>>
    tpu.wait_dma2 semaphore(%arg11 : memref<!tpu.dma_semaphore, #tpu.memory_space<semaphore_mem>>) src(%arg7 : memref<80x128xf32, #tpu.memory_space<vmem>>) dst(%dma_wait3A_40 : memref<80x128xf32, #tpu.memory_space<hbm>>)
    %multiple_of3A_41 = arith.constant 160 : i32
    %multiple_of3A_42 = tpu.assume_multiple %multiple_of3A_41, 80 : i32
    %dma_start3A_43 = tpu.memref_slice %arg5[%multiple_of3A_42] : memref<10000xi32, #tpu.memory_space<vmem>> -> memref<80xi32, #tpu.memory_space<vmem>>
    %dma_start3A_44 = arith.constant 0 : i32
    %dma_start3A_45 = arith.constant 0 : i32
    %dma_start3A_46 = tpu.memref_slice %arg3[%dma_start3A_44, %dma_start3A_45] : memref<10000x128xf32, #tpu.memory_space<hbm>> -> memref<10000x128xf32, #tpu.memory_space<hbm>>
    tpu.enqueue_indirect_dma source(%dma_start3A_46 : memref<10000x128xf32, #tpu.memory_space<hbm>>) target(%arg7 : memref<80x128xf32, #tpu.memory_space<vmem>>) offsets(%dma_start3A_43 : memref<80xi32, #tpu.memory_space<vmem>>) semaphore(%arg9 : memref<!tpu.dma_semaphore, #tpu.memory_space<semaphore_mem>>)
    %multiple_of3A_47 = arith.constant 80 : i32
    %multiple_of3A_48 = tpu.assume_multiple %multiple_of3A_47, 80 : i32
    %dma_wait3A_49 = tpu.memref_slice %arg5[%multiple_of3A_48] : memref<10000xi32, #tpu.memory_space<vmem>> -> memref<80xi32, #tpu.memory_space<vmem>>
    %dma_wait3A_50 = arith.constant 0 : i32
    %dma_wait3A_51 = arith.constant 0 : i32
    %dma_wait3A_52 = tpu.memref_slice %arg3[%dma_wait3A_50, %dma_wait3A_51] : memref<10000x128xf32, #tpu.memory_space<hbm>> -> memref<10000x128xf32, #tpu.memory_space<hbm>>
    tpu.wait_indirect_dma semaphore(%arg10 : memref<!tpu.dma_semaphore, #tpu.memory_space<semaphore_mem>>) src(%dma_wait3A_52 : memref<10000x128xf32, #tpu.memory_space<hbm>>) dst(%arg8 : memref<80x128xf32, #tpu.memory_space<vmem>>)
    %multiple_of3A_53 = arith.constant 80 : i32
    %multiple_of3A_54 = tpu.assume_multiple %multiple_of3A_53, 80 : i32
    %add3A_55 = arith.addi %mul3A_2, %multiple_of3A_54 : i32
    %dma_start3A_56 = arith.constant 0 : i32
    %dma_start3A_57 = tpu.memref_slice %arg4[%add3A_55, %dma_start3A_56] : memref<320000x128xf32, #tpu.memory_space<hbm>> -> memref<80x128xf32, #tpu.memory_space<hbm>>
    %dma_start3A_58 = arith.constant 0 : i32
    %dma_start3A_59 = tpu.memref_slice %arg4[%add3A_55, %dma_start3A_58] : memref<320000x128xf32, #tpu.memory_space<hbm>> -> memref<80x128xf32, #tpu.memory_space<hbm>>
    tpu.enqueue_dma source(%arg8 : memref<80x128xf32, #tpu.memory_space<vmem>>) target(%dma_start3A_59 : memref<80x128xf32, #tpu.memory_space<hbm>>) target_semaphore(%arg12 : memref<!tpu.dma_semaphore, #tpu.memory_space<semaphore_mem>>)
    %multiple_of3A_60 = arith.constant 80 : i32
    %multiple_of3A_61 = tpu.assume_multiple %multiple_of3A_60, 80 : i32
    %add3A_62 = arith.addi %mul3A_2, %multiple_of3A_61 : i32
    %dma_wait3A_63 = arith.constant 0 : i32
    %dma_wait3A_64 = tpu.memref_slice %arg4[%add3A_62, %dma_wait3A_63] : memref<320000x128xf32, #tpu.memory_space<hbm>> -> memref<80x128xf32, #tpu.memory_space<hbm>>
    %dma_wait3A_65 = arith.constant 0 : i32
    %dma_wait3A_66 = tpu.memref_slice %arg4[%add3A_62, %dma_wait3A_65] : memref<320000x128xf32, #tpu.memory_space<hbm>> -> memref<80x128xf32, #tpu.memory_space<hbm>>
    tpu.wait_dma2 semaphore(%arg12 : memref<!tpu.dma_semaphore, #tpu.memory_space<semaphore_mem>>) src(%arg8 : memref<80x128xf32, #tpu.memory_space<vmem>>) dst(%dma_wait3A_66 : memref<80x128xf32, #tpu.memory_space<hbm>>)
    %multiple_of3A_67 = arith.constant 240 : i32
    %multiple_of3A_68 = tpu.assume_multiple %multiple_of3A_67, 80 : i32
    %dma_start3A_69 = tpu.memref_slice %arg5[%multiple_of3A_68] : memref<10000xi32, #tpu.memory_space<vmem>> -> memref<80xi32, #tpu.memory_space<vmem>>
    %dma_start3A_70 = arith.constant 0 : i32
    %dma_start3A_71 = arith.constant 0 : i32
    %dma_start3A_72 = tpu.memref_slice %arg3[%dma_start3A_70, %dma_start3A_71] : memref<10000x128xf32, #tpu.memory_space<hbm>> -> memref<10000x128xf32, #tpu.memory_space<hbm>>
    tpu.enqueue_indirect_dma source(%dma_start3A_72 : memref<10000x128xf32, #tpu.memory_space<hbm>>) target(%arg8 : memref<80x128xf32, #tpu.memory_space<vmem>>) offsets(%dma_start3A_69 : memref<80xi32, #tpu.memory_space<vmem>>) semaphore(%arg10 : memref<!tpu.dma_semaphore, #tpu.memory_space<semaphore_mem>>)
    %multiple_of3A_73 = arith.constant 160 : i32
    %multiple_of3A_74 = tpu.assume_multiple %multiple_of3A_73, 80 : i32
    %dma_wait3A_75 = tpu.memref_slice %arg5[%multiple_of3A_74] : memref<10000xi32, #tpu.memory_space<vmem>> -> memref<80xi32, #tpu.memory_space<vmem>>
    %dma_wait3A_76 = arith.constant 0 : i32
    %dma_wait3A_77 = arith.constant 0 : i32
    %dma_wait3A_78 = tpu.memref_slice %arg3[%dma_wait3A_76, %dma_wait3A_77] : memref<10000x128xf32, #tpu.memory_space<hbm>> -> memref<10000x128xf32, #tpu.memory_space<hbm>>
    tpu.wait_indirect_dma semaphore(%arg9 : memref<!tpu.dma_semaphore, #tpu.memory_space<semaphore_mem>>) src(%dma_wait3A_78 : memref<10000x128xf32, #tpu.memory_space<hbm>>) dst(%arg7 : memref<80x128xf32, #tpu.memory_space<vmem>>)
    %multiple_of3A_79 = arith.constant 160 : i32
    %multiple_of3A_80 = tpu.assume_multiple %multiple_of3A_79, 80 : i32
    %add3A_81 = arith.addi %mul3A_2, %multiple_of3A_80 : i32
    %dma_start3A_82 = arith.constant 0 : i32
    %dma_start3A_83 = tpu.memref_slice %arg4[%add3A_81, %dma_start3A_82] : memref<320000x128xf32, #tpu.memory_space<hbm>> -> memref<80x128xf32, #tpu.memory_space<hbm>>
    %dma_start3A_84 = arith.constant 0 : i32
    %dma_start3A_85 = tpu.memref_slice %arg4[%add3A_81, %dma_start3A_84] : memref<320000x128xf32, #tpu.memory_space<hbm>> -> memref<80x128xf32, #tpu.memory_space<hbm>>
    tpu.enqueue_dma source(%arg7 : memref<80x128xf32, #tpu.memory_space<vmem>>) target(%dma_start3A_85 : memref<80x128xf32, #tpu.memory_space<hbm>>) target_semaphore(%arg11 : memref<!tpu.dma_semaphore, #tpu.memory_space<semaphore_mem>>)
    %multiple_of3A_86 = arith.constant 160 : i32
    %multiple_of3A_87 = tpu.assume_multiple %multiple_of3A_86, 80 : i32
    %add3A_88 = arith.addi %mul3A_2, %multiple_of3A_87 : i32
    %dma_wait3A_89 = arith.constant 0 : i32
    %dma_wait3A_90 = tpu.memref_slice %arg4[%add3A_88, %dma_wait3A_89] : memref<320000x128xf32, #tpu.memory_space<hbm>> -> memref<80x128xf32, #tpu.memory_space<hbm>>
    %dma_wait3A_91 = arith.constant 0 : i32
    %dma_wait3A_92 = tpu.memref_slice %arg4[%add3A_88, %dma_wait3A_91] : memref<320000x128xf32, #tpu.memory_space<hbm>> -> memref<80x128xf32, #tpu.memory_space<hbm>>
    tpu.wait_dma2 semaphore(%arg11 : memref<!tpu.dma_semaphore, #tpu.memory_space<semaphore_mem>>) src(%arg7 : memref<80x128xf32, #tpu.memory_space<vmem>>) dst(%dma_wait3A_92 : memref<80x128xf32, #tpu.memory_space<hbm>>)
    %multiple_of3A_93 = arith.constant 320 : i32
    %multiple_of3A_94 = tpu.assume_multiple %multiple_of3A_93, 80 : i32
    %dma_start3A_95 = tpu.memref_slice %arg5[%multiple_of3A_94] : memref<10000xi32, #tpu.memory_space<vmem>> -> memref<80xi32, #tpu.memory_space<vmem>>
    %dma_start3A_96 = arith.constant 0 : i32
    %dma_start3A_97 = arith.constant 0 : i32
    %dma_start3A_98 = tpu.memref_slice %arg3[%dma_start3A_96, %dma_start3A_97] : memref<10000x128xf32, #tpu.memory_space<hbm>> -> memref<10000x128xf32, #tpu.memory_space<hbm>>
    tpu.enqueue_indirect_dma source(%dma_start3A_98 : memref<10000x128xf32, #tpu.memory_space<hbm>>) target(%arg7 : memref<80x128xf32, #tpu.memory_space<vmem>>) offsets(%dma_start3A_95 : memref<80xi32, #tpu.memory_space<vmem>>) semaphore(%arg9 : memref<!tpu.dma_semaphore, #tpu.memory_space<semaphore_mem>>)
    %multiple_of3A_99 = arith.constant 240 : i32
    %multiple_of3A_100 = tpu.assume_multiple %multiple_of3A_99, 80 : i32
    %dma_wait3A_101 = tpu.memref_slice %arg5[%multiple_of3A_100] : memref<10000xi32, #tpu.memory_space<vmem>> -> memref<80xi32, #tpu.memory_space<vmem>>
    %dma_wait3A_102 = arith.constant 0 : i32
    %dma_wait3A_103 = arith.constant 0 : i32
    %dma_wait3A_104 = tpu.memref_slice %arg3[%dma_wait3A_102, %dma_wait3A_103] : memref<10000x128xf32, #tpu.memory_space<hbm>> -> memref<10000x128xf32, #tpu.memory_space<hbm>>
    tpu.wait_indirect_dma semaphore(%arg10 : memref<!tpu.dma_semaphore, #tpu.memory_space<semaphore_mem>>) src(%dma_wait3A_104 : memref<10000x128xf32, #tpu.memory_space<hbm>>) dst(%arg8 : memref<80x128xf32, #tpu.memory_space<vmem>>)
    %multiple_of3A_105 = arith.constant 240 : i32
    %multiple_of3A_106 = tpu.assume_multiple %multiple_of3A_105, 80 : i32
    %add3A_107 = arith.addi %mul3A_2, %multiple_of3A_106 : i32
    %dma_start3A_108 = arith.constant 0 : i32
    %dma_start3A_109 = tpu.memref_slice %arg4[%add3A_107, %dma_start3A_108] : memref<320000x128xf32, #tpu.memory_space<hbm>> -> memref<80x128xf32, #tpu.memory_space<hbm>>
    %dma_start3A_110 = arith.constant 0 : i32
    %dma_start3A_111 = tpu.memref_slice %arg4[%add3A_107, %dma_start3A_110] : memref<320000x128xf32, #tpu.memory_space<hbm>> -> memref<80x128xf32, #tpu.memory_space<hbm>>
    tpu.enqueue_dma source(%arg8 : memref<80x128xf32, #tpu.memory_space<vmem>>) target(%dma_start3A_111 : memref<80x128xf32, #tpu.memory_space<hbm>>) target_semaphore(%arg12 : memref<!tpu.dma_semaphore, #tpu.memory_space<semaphore_mem>>)
    %multiple_of3A_112 = arith.constant 240 : i32
    %multiple_of3A_113 = tpu.assume_multiple %multiple_of3A_112, 80 : i32
    %add3A_114 = arith.addi %mul3A_2, %multiple_of3A_113 : i32
    %dma_wait3A_115 = arith.constant 0 : i32
    %dma_wait3A_116 = tpu.memref_slice %arg4[%add3A_114, %dma_wait3A_115] : memref<320000x128xf32, #tpu.memory_space<hbm>> -> memref<80x128xf32, #tpu.memory_space<hbm>>
    %dma_wait3A_117 = arith.constant 0 : i32
    %dma_wait3A_118 = tpu.memref_slice %arg4[%add3A_114, %dma_wait3A_117] : memref<320000x128xf32, #tpu.memory_space<hbm>> -> memref<80x128xf32, #tpu.memory_space<hbm>>
    tpu.wait_dma2 semaphore(%arg12 : memref<!tpu.dma_semaphore, #tpu.memory_space<semaphore_mem>>) src(%arg8 : memref<80x128xf32, #tpu.memory_space<vmem>>) dst(%dma_wait3A_118 : memref<80x128xf32, #tpu.memory_space<hbm>>)
    %multiple_of3A_119 = arith.constant 400 : i32
    %multiple_of3A_120 = tpu.assume_multiple %multiple_of3A_119, 80 : i32
    %dma_start3A_121 = tpu.memref_slice %arg5[%multiple_of3A_120] : memref<10000xi32, #tpu.memory_space<vmem>> -> memref<80xi32, #tpu.memory_space<vmem>>
    %dma_start3A_122 = arith.constant 0 : i32
    %dma_start3A_123 = arith.constant 0 : i32
    %dma_start3A_124 = tpu.memref_slice %arg3[%dma_start3A_122, %dma_start3A_123] : memref<10000x128xf32, #tpu.memory_space<hbm>> -> memref<10000x128xf32, #tpu.memory_space<hbm>>
    tpu.enqueue_indirect_dma source(%dma_start3A_124 : memref<10000x128xf32, #tpu.memory_space<hbm>>) target(%arg8 : memref<80x128xf32, #tpu.memory_space<vmem>>) offsets(%dma_start3A_121 : memref<80xi32, #tpu.memory_space<vmem>>) semaphore(%arg10 : memref<!tpu.dma_semaphore, #tpu.memory_space<semaphore_mem>>)
    %multiple_of3A_125 = arith.constant 320 : i32
    %multiple_of3A_126 = tpu.assume_multiple %multiple_of3A_125, 80 : i32
    %dma_wait3A_127 = tpu.memref_slice %arg5[%multiple_of3A_126] : memref<10000xi32, #tpu.memory_space<vmem>> -> memref<80xi32, #tpu.memory_space<vmem>>
    %dma_wait3A_128 = arith.constant 0 : i32
    %dma_wait3A_129 = arith.constant 0 : i32
    %dma_wait3A_130 = tpu.memref_slice %arg3[%dma_wait3A_128, %dma_wait3A_129] : memref<10000x128xf32, #tpu.memory_space<hbm>> -> memref<10000x128xf32, #tpu.memory_space<hbm>>
    tpu.wait_indirect_dma semaphore(%arg9 : memref<!tpu.dma_semaphore, #tpu.memory_space<semaphore_mem>>) src(%dma_wait3A_130 : memref<10000x128xf32, #tpu.memory_space<hbm>>) dst(%arg7 : memref<80x128xf32, #tpu.memory_space<vmem>>)
    %multiple_of3A_131 = arith.constant 320 : i32
    %multiple_of3A_132 = tpu.assume_multiple %multiple_of3A_131, 80 : i32
    %add3A_133 = arith.addi %mul3A_2, %multiple_of3A_132 : i32
    %dma_start3A_134 = arith.constant 0 : i32
    %dma_start3A_135 = tpu.memref_slice %arg4[%add3A_133, %dma_start3A_134] : memref<320000x128xf32, #tpu.memory_space<hbm>> -> memref<80x128xf32, #tpu.memory_space<hbm>>
    %dma_start3A_136 = arith.constant 0 : i32
    %dma_start3A_137 = tpu.memref_slice %arg4[%add3A_133, %dma_start3A_136] : memref<320000x128xf32, #tpu.memory_space<hbm>> -> memref<80x128xf32, #tpu.memory_space<hbm>>
    tpu.enqueue_dma source(%arg7 : memref<80x128xf32, #tpu.memory_space<vmem>>) target(%dma_start3A_137 : memref<80x128xf32, #tpu.memory_space<hbm>>) target_semaphore(%arg11 : memref<!tpu.dma_semaphore, #tpu.memory_space<semaphore_mem>>)
    %multiple_of3A_138 = arith.constant 320 : i32
    %multiple_of3A_139 = tpu.assume_multiple %multiple_of3A_138, 80 : i32
    %add3A_140 = arith.addi %mul3A_2, %multiple_of3A_139 : i32
    %dma_wait3A_141 = arith.constant 0 : i32
    %dma_wait3A_142 = tpu.memref_slice %arg4[%add3A_140, %dma_wait3A_141] : memref<320000x128xf32, #tpu.memory_space<hbm>> -> memref<80x128xf32, #tpu.memory_space<hbm>>
    %dma_wait3A_143 = arith.constant 0 : i32
    %dma_wait3A_144 = tpu.memref_slice %arg4[%add3A_140, %dma_wait3A_143] : memref<320000x128xf32, #tpu.memory_space<hbm>> -> memref<80x128xf32, #tpu.memory_space<hbm>>
    tpu.wait_dma2 semaphore(%arg11 : memref<!tpu.dma_semaphore, #tpu.memory_space<semaphore_mem>>) src(%arg7 : memref<80x128xf32, #tpu.memory_space<vmem>>) dst(%dma_wait3A_144 : memref<80x128xf32, #tpu.memory_space<hbm>>)
    %multiple_of3A_145 = arith.constant 480 : i32
    %multiple_of3A_146 = tpu.assume_multiple %multiple_of3A_145, 80 : i32
    %dma_start3A_147 = tpu.memref_slice %arg5[%multiple_of3A_146] : memref<10000xi32, #tpu.memory_space<vmem>> -> memref<80xi32, #tpu.memory_space<vmem>>
    %dma_start3A_148 = arith.constant 0 : i32
    %dma_start3A_149 = arith.constant 0 : i32
    %dma_start3A_150 = tpu.memref_slice %arg3[%dma_start3A_148, %dma_start3A_149] : memref<10000x128xf32, #tpu.memory_space<hbm>> -> memref<10000x128xf32, #tpu.memory_space<hbm>>
    tpu.enqueue_indirect_dma source(%dma_start3A_150 : memref<10000x128xf32, #tpu.memory_space<hbm>>) target(%arg7 : memref<80x128xf32, #tpu.memory_space<vmem>>) offsets(%dma_start3A_147 : memref<80xi32, #tpu.memory_space<vmem>>) semaphore(%arg9 : memref<!tpu.dma_semaphore, #tpu.memory_space<semaphore_mem>>)
    %multiple_of3A_151 = arith.constant 400 : i32
    %multiple_of3A_152 = tpu.assume_multiple %multiple_of3A_151, 80 : i32
    %dma_wait3A_153 = tpu.memref_slice %arg5[%multiple_of3A_152] : memref<10000xi32, #tpu.memory_space<vmem>> -> memref<80xi32, #tpu.memory_space<vmem>>
    %dma_wait3A_154 = arith.constant 0 : i32
    %dma_wait3A_155 = arith.constant 0 : i32
    %dma_wait3A_156 = tpu.memref_slice %arg3[%dma_wait3A_154, %dma_wait3A_155] : memref<10000x128xf32, #tpu.memory_space<hbm>> -> memref<10000x128xf32, #tpu.memory_space<hbm>>
    tpu.wait_indirect_dma semaphore(%arg10 : memref<!tpu.dma_semaphore, #tpu.memory_space<semaphore_mem>>) src(%dma_wait3A_156 : memref<10000x128xf32, #tpu.memory_space<hbm>>) dst(%arg8 : memref<80x128xf32, #tpu.memory_space<vmem>>)
    %multiple_of3A_157 = arith.constant 400 : i32
    %multiple_of3A_158 = tpu.assume_multiple %multiple_of3A_157, 80 : i32
    %add3A_159 = arith.addi %mul3A_2, %multiple_of3A_158 : i32
    %dma_start3A_160 = arith.constant 0 : i32
    %dma_start3A_161 = tpu.memref_slice %arg4[%add3A_159, %dma_start3A_160] : memref<320000x128xf32, #tpu.memory_space<hbm>> -> memref<80x128xf32, #tpu.memory_space<hbm>>
    %dma_start3A_162 = arith.constant 0 : i32
    %dma_start3A_163 = tpu.memref_slice %arg4[%add3A_159, %dma_start3A_162] : memref<320000x128xf32, #tpu.memory_space<hbm>> -> memref<80x128xf32, #tpu.memory_space<hbm>>
    tpu.enqueue_dma source(%arg8 : memref<80x128xf32, #tpu.memory_space<vmem>>) target(%dma_start3A_163 : memref<80x128xf32, #tpu.memory_space<hbm>>) target_semaphore(%arg12 : memref<!tpu.dma_semaphore, #tpu.memory_space<semaphore_mem>>)
    %multiple_of3A_164 = arith.constant 400 : i32
    %multiple_of3A_165 = tpu.assume_multiple %multiple_of3A_164, 80 : i32
    %add3A_166 = arith.addi %mul3A_2, %multiple_of3A_165 : i32
    %dma_wait3A_167 = arith.constant 0 : i32
    %dma_wait3A_168 = tpu.memref_slice %arg4[%add3A_166, %dma_wait3A_167] : memref<320000x128xf32, #tpu.memory_space<hbm>> -> memref<80x128xf32, #tpu.memory_space<hbm>>
    %dma_wait3A_169 = arith.constant 0 : i32
    %dma_wait3A_170 = tpu.memref_slice %arg4[%add3A_166, %dma_wait3A_169] : memref<320000x128xf32, #tpu.memory_space<hbm>> -> memref<80x128xf32, #tpu.memory_space<hbm>>
    tpu.wait_dma2 semaphore(%arg12 : memref<!tpu.dma_semaphore, #tpu.memory_space<semaphore_mem>>) src(%arg8 : memref<80x128xf32, #tpu.memory_space<vmem>>) dst(%dma_wait3A_170 : memref<80x128xf32, #tpu.memory_space<hbm>>)
    %multiple_of3A_171 = arith.constant 560 : i32
    %multiple_of3A_172 = tpu.assume_multiple %multiple_of3A_171, 80 : i32
    %dma_start3A_173 = tpu.memref_slice %arg5[%multiple_of3A_172] : memref<10000xi32, #tpu.memory_space<vmem>> -> memref<80xi32, #tpu.memory_space<vmem>>
    %dma_start3A_174 = arith.constant 0 : i32
    %dma_start3A_175 = arith.constant 0 : i32
    %dma_start3A_176 = tpu.memref_slice %arg3[%dma_start3A_174, %dma_start3A_175] : memref<10000x128xf32, #tpu.memory_space<hbm>> -> memref<10000x128xf32, #tpu.memory_space<hbm>>
    tpu.enqueue_indirect_dma source(%dma_start3A_176 : memref<10000x128xf32, #tpu.memory_space<hbm>>) target(%arg8 : memref<80x128xf32, #tpu.memory_space<vmem>>) offsets(%dma_start3A_173 : memref<80xi32, #tpu.memory_space<vmem>>) semaphore(%arg10 : memref<!tpu.dma_semaphore, #tpu.memory_space<semaphore_mem>>)
    %multiple_of3A_177 = arith.constant 480 : i32
    %multiple_of3A_178 = tpu.assume_multiple %multiple_of3A_177, 80 : i32
    %dma_wait3A_179 = tpu.memref_slice %arg5[%multiple_of3A_178] : memref<10000xi32, #tpu.memory_space<vmem>> -> memref<80xi32, #tpu.memory_space<vmem>>
    %dma_wait3A_180 = arith.constant 0 : i32
    %dma_wait3A_181 = arith.constant 0 : i32
    %dma_wait3A_182 = tpu.memref_slice %arg3[%dma_wait3A_180, %dma_wait3A_181] : memref<10000x128xf32, #tpu.memory_space<hbm>> -> memref<10000x128xf32, #tpu.memory_space<hbm>>
    tpu.wait_indirect_dma semaphore(%arg9 : memref<!tpu.dma_semaphore, #tpu.memory_space<semaphore_mem>>) src(%dma_wait3A_182 : memref<10000x128xf32, #tpu.memory_space<hbm>>) dst(%arg7 : memref<80x128xf32, #tpu.memory_space<vmem>>)
    %multiple_of3A_183 = arith.constant 480 : i32
    %multiple_of3A_184 = tpu.assume_multiple %multiple_of3A_183, 80 : i32
    %add3A_185 = arith.addi %mul3A_2, %multiple_of3A_184 : i32
    %dma_start3A_186 = arith.constant 0 : i32
    %dma_start3A_187 = tpu.memref_slice %arg4[%add3A_185, %dma_start3A_186] : memref<320000x128xf32, #tpu.memory_space<hbm>> -> memref<80x128xf32, #tpu.memory_space<hbm>>
    %dma_start3A_188 = arith.constant 0 : i32
    %dma_start3A_189 = tpu.memref_slice %arg4[%add3A_185, %dma_start3A_188] : memref<320000x128xf32, #tpu.memory_space<hbm>> -> memref<80x128xf32, #tpu.memory_space<hbm>>
    tpu.enqueue_dma source(%arg7 : memref<80x128xf32, #tpu.memory_space<vmem>>) target(%dma_start3A_189 : memref<80x128xf32, #tpu.memory_space<hbm>>) target_semaphore(%arg11 : memref<!tpu.dma_semaphore, #tpu.memory_space<semaphore_mem>>)
    %multiple_of3A_190 = arith.constant 480 : i32
    %multiple_of3A_191 = tpu.assume_multiple %multiple_of3A_190, 80 : i32
    %add3A_192 = arith.addi %mul3A_2, %multiple_of3A_191 : i32
    %dma_wait3A_193 = arith.constant 0 : i32
    %dma_wait3A_194 = tpu.memref_slice %arg4[%add3A_192, %dma_wait3A_193] : memref<320000x128xf32, #tpu.memory_space<hbm>> -> memref<80x128xf32, #tpu.memory_space<hbm>>
    %dma_wait3A_195 = arith.constant 0 : i32
    %dma_wait3A_196 = tpu.memref_slice %arg4[%add3A_192, %dma_wait3A_195] : memref<320000x128xf32, #tpu.memory_space<hbm>> -> memref<80x128xf32, #tpu.memory_space<hbm>>
    tpu.wait_dma2 semaphore(%arg11 : memref<!tpu.dma_semaphore, #tpu.memory_space<semaphore_mem>>) src(%arg7 : memref<80x128xf32, #tpu.memory_space<vmem>>) dst(%dma_wait3A_196 : memref<80x128xf32, #tpu.memory_space<hbm>>)
    %dma_wait3A_197 = arith.constant 0 : i32
    %dma_wait3A_198 = tpu.memref_slice %arg6[%multiple_of3A, %dma_wait3A_197] : memref<10000x128xf32, #tpu.memory_space<vmem_shared>> -> memref<624x128xf32, #tpu.memory_space<vmem_shared>>
    %dma_wait3A_199 = arith.constant 0 : i32
    %dma_wait3A_200 = tpu.memref_slice %arg3[%multiple_of3A, %dma_wait3A_199] : memref<10000x128xf32, #tpu.memory_space<hbm>> -> memref<624x128xf32, #tpu.memory_space<hbm>>
    tpu.wait_dma2 semaphore(%arg13 : memref<!tpu.dma_semaphore, #tpu.memory_space<semaphore_mem>>) src(%dma_wait3A_200 : memref<624x128xf32, #tpu.memory_space<hbm>>) dst(%dma_wait3A_198 : memref<624x128xf32, #tpu.memory_space<vmem_shared>>)
    %eq3A_201 = arith.constant 15 : i32
    %eq3A_202 = arith.cmpi eq, %arg1, %eq3A_201 : i32
    %convert_element_type3A_203 = arith.extui %eq3A_202 : i1 to i32
    %cond3A_204 = arith.constant 0 : i32
    %cond3A_205 = arith.cmpi ne, %convert_element_type3A_203, %cond3A_204 : i32
    scf.if %cond3A_205 {
      %dma_wait3A_244 = arith.constant 9984 : i32
      %dma_wait3A_245 = arith.constant 0 : i32
      %dma_wait3A_246 = tpu.memref_slice %arg6[%dma_wait3A_244, %dma_wait3A_245] : memref<10000x128xf32, #tpu.memory_space<vmem_shared>> -> memref<16x128xf32, #tpu.memory_space<vmem_shared>>
      %dma_wait3A_247 = arith.constant 9984 : i32
      %dma_wait3A_248 = arith.constant 0 : i32
      %dma_wait3A_249 = tpu.memref_slice %arg3[%dma_wait3A_247, %dma_wait3A_248] : memref<10000x128xf32, #tpu.memory_space<hbm>> -> memref<16x128xf32, #tpu.memory_space<hbm>>
      tpu.wait_dma2 semaphore(%arg13 : memref<!tpu.dma_semaphore, #tpu.memory_space<semaphore_mem>>) src(%dma_wait3A_249 : memref<16x128xf32, #tpu.memory_space<hbm>>) dst(%dma_wait3A_246 : memref<16x128xf32, #tpu.memory_space<vmem_shared>>)
    } else {
    }
    %barrier3A = arith.constant 0 : index
    tpu.barrier barrier_id(%barrier3A)
    %multiple_of3A_206 = arith.constant 640 : i32
    %multiple_of3A_207 = tpu.assume_multiple %multiple_of3A_206, 80 : i32
    %dma_start3A_208 = tpu.memref_slice %arg5[%multiple_of3A_207] : memref<10000xi32, #tpu.memory_space<vmem>> -> memref<80xi32, #tpu.memory_space<vmem>>
    %dma_start3A_209 = arith.constant 0 : i32
    %dma_start3A_210 = arith.constant 0 : i32
    %dma_start3A_211 = tpu.memref_slice %arg6[%dma_start3A_209, %dma_start3A_210] : memref<10000x128xf32, #tpu.memory_space<vmem_shared>> -> memref<10000x128xf32, #tpu.memory_space<vmem_shared>>
    tpu.enqueue_indirect_dma source(%dma_start3A_211 : memref<10000x128xf32, #tpu.memory_space<vmem_shared>>) target(%arg7 : memref<80x128xf32, #tpu.memory_space<vmem>>) offsets(%dma_start3A_208 : memref<80xi32, #tpu.memory_space<vmem>>) semaphore(%arg9 : memref<!tpu.dma_semaphore, #tpu.memory_space<semaphore_mem>>)
    %multiple_of3A_212 = arith.constant 560 : i32
    %multiple_of3A_213 = tpu.assume_multiple %multiple_of3A_212, 80 : i32
    %dma_wait3A_214 = tpu.memref_slice %arg5[%multiple_of3A_213] : memref<10000xi32, #tpu.memory_space<vmem>> -> memref<80xi32, #tpu.memory_space<vmem>>
    %dma_wait3A_215 = arith.constant 0 : i32
    %dma_wait3A_216 = arith.constant 0 : i32
    %dma_wait3A_217 = tpu.memref_slice %arg3[%dma_wait3A_215, %dma_wait3A_216] : memref<10000x128xf32, #tpu.memory_space<hbm>> -> memref<10000x128xf32, #tpu.memory_space<hbm>>
    tpu.wait_indirect_dma semaphore(%arg10 : memref<!tpu.dma_semaphore, #tpu.memory_space<semaphore_mem>>) src(%dma_wait3A_217 : memref<10000x128xf32, #tpu.memory_space<hbm>>) dst(%arg8 : memref<80x128xf32, #tpu.memory_space<vmem>>)
    %multiple_of3A_218 = arith.constant 560 : i32
    %multiple_of3A_219 = tpu.assume_multiple %multiple_of3A_218, 80 : i32
    %add3A_220 = arith.addi %mul3A_2, %multiple_of3A_219 : i32
    %dma_start3A_221 = arith.constant 0 : i32
    %dma_start3A_222 = tpu.memref_slice %arg4[%add3A_220, %dma_start3A_221] : memref<320000x128xf32, #tpu.memory_space<hbm>> -> memref<80x128xf32, #tpu.memory_space<hbm>>
    %dma_start3A_223 = arith.constant 0 : i32
    %dma_start3A_224 = tpu.memref_slice %arg4[%add3A_220, %dma_start3A_223] : memref<320000x128xf32, #tpu.memory_space<hbm>> -> memref<80x128xf32, #tpu.memory_space<hbm>>
    tpu.enqueue_dma source(%arg8 : memref<80x128xf32, #tpu.memory_space<vmem>>) target(%dma_start3A_224 : memref<80x128xf32, #tpu.memory_space<hbm>>) target_semaphore(%arg12 : memref<!tpu.dma_semaphore, #tpu.memory_space<semaphore_mem>>)
    %scan3A = arith.constant 0 : i32
    %scan3A_225 = arith.constant 8 : i32
    %scan3A_226 = arith.constant 117 : i32
    %scan3A_227 = arith.addi %scan3A_225, %scan3A_226 : i32
    %scan3A_228 = arith.constant 1 : i32
    scf.for %scan3A_244 = %scan3A_225 to %scan3A_227 step %scan3A_228  : i32 {
      %jit3A = arith.constant 2 : i32
      %eq3A_245 = arith.constant 0 : i32
      %eq3A_246 = arith.cmpi eq, %jit3A, %eq3A_245 : i32
      %jit3A_247 = arith.constant 1 : i32
      %select_n3A = arith.select %eq3A_246, %jit3A_247, %jit3A : i32
      %rem3A = arith.remsi %scan3A_244, %select_n3A : i32
      %ne3A = arith.constant 0 : i32
      %ne3A_248 = arith.cmpi ne, %rem3A, %ne3A : i32
      %lt3A = arith.constant 0 : i32
      %lt3A_249 = arith.cmpi slt, %rem3A, %lt3A : i32
      %lt3A_250 = arith.constant 0 : i32
      %lt3A_251 = arith.cmpi slt, %select_n3A, %lt3A_250 : i32
      %ne3A_252 = arith.xori %lt3A_249, %lt3A_251 : i1
      %and3A = arith.andi %ne3A_252, %ne3A_248 : i1
      %add3A_253 = arith.addi %rem3A, %select_n3A : i32
      %select_n3A_254 = arith.select %and3A, %add3A_253, %rem3A : i32
      %eq3A_255 = arith.constant 0 : i32
      %eq3A_256 = arith.cmpi eq, %select_n3A_254, %eq3A_255 : i32
      %convert_element_type3A_257 = arith.extui %eq3A_256 : i1 to i32
      %cond3A_258 = arith.constant 0 : i32
      %cond3A_259 = arith.cmpi ne, %convert_element_type3A_257, %cond3A_258 : i32
      scf.if %cond3A_259 {
        %lt3A_281 = arith.constant 124 : i32
        %lt3A_282 = arith.cmpi slt, %scan3A_244, %lt3A_281 : i32
        %convert_element_type3A_283 = arith.extui %lt3A_282 : i1 to i32
        %cond3A_284 = arith.constant 0 : i32
        %cond3A_285 = arith.cmpi ne, %convert_element_type3A_283, %cond3A_284 : i32
        scf.if %cond3A_285 {
          %sub3A = arith.constant 1 : i32
          %sub3A_301 = arith.subi %scan3A_244, %sub3A : i32
          %mul3A_302 = arith.constant 80 : i32
          %mul3A_303 = arith.muli %sub3A_301, %mul3A_302 : i32
          %multiple_of3A_304 = tpu.assume_multiple %mul3A_303, 80 : i32
          %add3A_305 = arith.addi %mul3A_2, %multiple_of3A_304 : i32
          %dma_wait3A_306 = arith.constant 0 : i32
          %dma_wait3A_307 = tpu.memref_slice %arg4[%add3A_305, %dma_wait3A_306] : memref<320000x128xf32, #tpu.memory_space<hbm>> -> memref<80x128xf32, #tpu.memory_space<hbm>>
          %dma_wait3A_308 = arith.constant 0 : i32
          %dma_wait3A_309 = tpu.memref_slice %arg4[%add3A_305, %dma_wait3A_308] : memref<320000x128xf32, #tpu.memory_space<hbm>> -> memref<80x128xf32, #tpu.memory_space<hbm>>
          tpu.wait_dma2 semaphore(%arg12 : memref<!tpu.dma_semaphore, #tpu.memory_space<semaphore_mem>>) src(%arg8 : memref<80x128xf32, #tpu.memory_space<vmem>>) dst(%dma_wait3A_309 : memref<80x128xf32, #tpu.memory_space<hbm>>)
          %add3A_310 = arith.constant 1 : i32
          %add3A_311 = arith.addi %scan3A_244, %add3A_310 : i32
          %mul3A_312 = arith.constant 80 : i32
          %mul3A_313 = arith.muli %add3A_311, %mul3A_312 : i32
          %multiple_of3A_314 = tpu.assume_multiple %mul3A_313, 80 : i32
          %dma_start3A_315 = tpu.memref_slice %arg5[%multiple_of3A_314] : memref<10000xi32, #tpu.memory_space<vmem>> -> memref<80xi32, #tpu.memory_space<vmem>>
          %dma_start3A_316 = arith.constant 0 : i32
          %dma_start3A_317 = arith.constant 0 : i32
          %dma_start3A_318 = tpu.memref_slice %arg6[%dma_start3A_316, %dma_start3A_317] : memref<10000x128xf32, #tpu.memory_space<vmem_shared>> -> memref<10000x128xf32, #tpu.memory_space<vmem_shared>>
          tpu.enqueue_indirect_dma source(%dma_start3A_318 : memref<10000x128xf32, #tpu.memory_space<vmem_shared>>) target(%arg8 : memref<80x128xf32, #tpu.memory_space<vmem>>) offsets(%dma_start3A_315 : memref<80xi32, #tpu.memory_space<vmem>>) semaphore(%arg10 : memref<!tpu.dma_semaphore, #tpu.memory_space<semaphore_mem>>)
        } else {
        }
        %mul3A_286 = arith.constant 80 : i32
        %mul3A_287 = arith.muli %scan3A_244, %mul3A_286 : i32
        %multiple_of3A_288 = tpu.assume_multiple %mul3A_287, 80 : i32
        %dma_wait3A_289 = tpu.memref_slice %arg5[%multiple_of3A_288] : memref<10000xi32, #tpu.memory_space<vmem>> -> memref<80xi32, #tpu.memory_space<vmem>>
        %dma_wait3A_290 = arith.constant 0 : i32
        %dma_wait3A_291 = arith.constant 0 : i32
        %dma_wait3A_292 = tpu.memref_slice %arg6[%dma_wait3A_290, %dma_wait3A_291] : memref<10000x128xf32, #tpu.memory_space<vmem_shared>> -> memref<10000x128xf32, #tpu.memory_space<vmem_shared>>
        tpu.wait_indirect_dma semaphore(%arg9 : memref<!tpu.dma_semaphore, #tpu.memory_space<semaphore_mem>>) src(%dma_wait3A_292 : memref<10000x128xf32, #tpu.memory_space<vmem_shared>>) dst(%arg7 : memref<80x128xf32, #tpu.memory_space<vmem>>)
        %mul3A_293 = arith.constant 80 : i32
        %mul3A_294 = arith.muli %scan3A_244, %mul3A_293 : i32
        %multiple_of3A_295 = tpu.assume_multiple %mul3A_294, 80 : i32
        %add3A_296 = arith.addi %mul3A_2, %multiple_of3A_295 : i32
        %dma_start3A_297 = arith.constant 0 : i32
        %dma_start3A_298 = tpu.memref_slice %arg4[%add3A_296, %dma_start3A_297] : memref<320000x128xf32, #tpu.memory_space<hbm>> -> memref<80x128xf32, #tpu.memory_space<hbm>>
        %dma_start3A_299 = arith.constant 0 : i32
        %dma_start3A_300 = tpu.memref_slice %arg4[%add3A_296, %dma_start3A_299] : memref<320000x128xf32, #tpu.memory_space<hbm>> -> memref<80x128xf32, #tpu.memory_space<hbm>>
        tpu.enqueue_dma source(%arg7 : memref<80x128xf32, #tpu.memory_space<vmem>>) target(%dma_start3A_300 : memref<80x128xf32, #tpu.memory_space<hbm>>) target_semaphore(%arg11 : memref<!tpu.dma_semaphore, #tpu.memory_space<semaphore_mem>>)
      } else {
      }
      %jit3A_260 = arith.constant 2 : i32
      %eq3A_261 = arith.constant 0 : i32
      %eq3A_262 = arith.cmpi eq, %jit3A_260, %eq3A_261 : i32
      %jit3A_263 = arith.constant 1 : i32
      %select_n3A_264 = arith.select %eq3A_262, %jit3A_263, %jit3A_260 : i32
      %rem3A_265 = arith.remsi %scan3A_244, %select_n3A_264 : i32
      %ne3A_266 = arith.constant 0 : i32
      %ne3A_267 = arith.cmpi ne, %rem3A_265, %ne3A_266 : i32
      %lt3A_268 = arith.constant 0 : i32
      %lt3A_269 = arith.cmpi slt, %rem3A_265, %lt3A_268 : i32
      %lt3A_270 = arith.constant 0 : i32
      %lt3A_271 = arith.cmpi slt, %select_n3A_264, %lt3A_270 : i32
      %ne3A_272 = arith.xori %lt3A_269, %lt3A_271 : i1
      %and3A_273 = arith.andi %ne3A_272, %ne3A_267 : i1
      %add3A_274 = arith.addi %rem3A_265, %select_n3A_264 : i32
      %select_n3A_275 = arith.select %and3A_273, %add3A_274, %rem3A_265 : i32
      %eq3A_276 = arith.constant 1 : i32
      %eq3A_277 = arith.cmpi eq, %select_n3A_275, %eq3A_276 : i32
      %convert_element_type3A_278 = arith.extui %eq3A_277 : i1 to i32
      %cond3A_279 = arith.constant 0 : i32
      %cond3A_280 = arith.cmpi ne, %convert_element_type3A_278, %cond3A_279 : i32
      scf.if %cond3A_280 {
        %lt3A_281 = arith.constant 124 : i32
        %lt3A_282 = arith.cmpi slt, %scan3A_244, %lt3A_281 : i32
        %convert_element_type3A_283 = arith.extui %lt3A_282 : i1 to i32
        %cond3A_284 = arith.constant 0 : i32
        %cond3A_285 = arith.cmpi ne, %convert_element_type3A_283, %cond3A_284 : i32
        scf.if %cond3A_285 {
          %sub3A = arith.constant 1 : i32
          %sub3A_301 = arith.subi %scan3A_244, %sub3A : i32
          %mul3A_302 = arith.constant 80 : i32
          %mul3A_303 = arith.muli %sub3A_301, %mul3A_302 : i32
          %multiple_of3A_304 = tpu.assume_multiple %mul3A_303, 80 : i32
          %add3A_305 = arith.addi %mul3A_2, %multiple_of3A_304 : i32
          %dma_wait3A_306 = arith.constant 0 : i32
          %dma_wait3A_307 = tpu.memref_slice %arg4[%add3A_305, %dma_wait3A_306] : memref<320000x128xf32, #tpu.memory_space<hbm>> -> memref<80x128xf32, #tpu.memory_space<hbm>>
          %dma_wait3A_308 = arith.constant 0 : i32
          %dma_wait3A_309 = tpu.memref_slice %arg4[%add3A_305, %dma_wait3A_308] : memref<320000x128xf32, #tpu.memory_space<hbm>> -> memref<80x128xf32, #tpu.memory_space<hbm>>
          tpu.wait_dma2 semaphore(%arg11 : memref<!tpu.dma_semaphore, #tpu.memory_space<semaphore_mem>>) src(%arg7 : memref<80x128xf32, #tpu.memory_space<vmem>>) dst(%dma_wait3A_309 : memref<80x128xf32, #tpu.memory_space<hbm>>)
          %add3A_310 = arith.constant 1 : i32
          %add3A_311 = arith.addi %scan3A_244, %add3A_310 : i32
          %mul3A_312 = arith.constant 80 : i32
          %mul3A_313 = arith.muli %add3A_311, %mul3A_312 : i32
          %multiple_of3A_314 = tpu.assume_multiple %mul3A_313, 80 : i32
          %dma_start3A_315 = tpu.memref_slice %arg5[%multiple_of3A_314] : memref<10000xi32, #tpu.memory_space<vmem>> -> memref<80xi32, #tpu.memory_space<vmem>>
          %dma_start3A_316 = arith.constant 0 : i32
          %dma_start3A_317 = arith.constant 0 : i32
          %dma_start3A_318 = tpu.memref_slice %arg6[%dma_start3A_316, %dma_start3A_317] : memref<10000x128xf32, #tpu.memory_space<vmem_shared>> -> memref<10000x128xf32, #tpu.memory_space<vmem_shared>>
          tpu.enqueue_indirect_dma source(%dma_start3A_318 : memref<10000x128xf32, #tpu.memory_space<vmem_shared>>) target(%arg7 : memref<80x128xf32, #tpu.memory_space<vmem>>) offsets(%dma_start3A_315 : memref<80xi32, #tpu.memory_space<vmem>>) semaphore(%arg9 : memref<!tpu.dma_semaphore, #tpu.memory_space<semaphore_mem>>)
        } else {
        }
        %mul3A_286 = arith.constant 80 : i32
        %mul3A_287 = arith.muli %scan3A_244, %mul3A_286 : i32
        %multiple_of3A_288 = tpu.assume_multiple %mul3A_287, 80 : i32
        %dma_wait3A_289 = tpu.memref_slice %arg5[%multiple_of3A_288] : memref<10000xi32, #tpu.memory_space<vmem>> -> memref<80xi32, #tpu.memory_space<vmem>>
        %dma_wait3A_290 = arith.constant 0 : i32
        %dma_wait3A_291 = arith.constant 0 : i32
        %dma_wait3A_292 = tpu.memref_slice %arg6[%dma_wait3A_290, %dma_wait3A_291] : memref<10000x128xf32, #tpu.memory_space<vmem_shared>> -> memref<10000x128xf32, #tpu.memory_space<vmem_shared>>
        tpu.wait_indirect_dma semaphore(%arg10 : memref<!tpu.dma_semaphore, #tpu.memory_space<semaphore_mem>>) src(%dma_wait3A_292 : memref<10000x128xf32, #tpu.memory_space<vmem_shared>>) dst(%arg8 : memref<80x128xf32, #tpu.memory_space<vmem>>)
        %mul3A_293 = arith.constant 80 : i32
        %mul3A_294 = arith.muli %scan3A_244, %mul3A_293 : i32
        %multiple_of3A_295 = tpu.assume_multiple %mul3A_294, 80 : i32
        %add3A_296 = arith.addi %mul3A_2, %multiple_of3A_295 : i32
        %dma_start3A_297 = arith.constant 0 : i32
        %dma_start3A_298 = tpu.memref_slice %arg4[%add3A_296, %dma_start3A_297] : memref<320000x128xf32, #tpu.memory_space<hbm>> -> memref<80x128xf32, #tpu.memory_space<hbm>>
        %dma_start3A_299 = arith.constant 0 : i32
        %dma_start3A_300 = tpu.memref_slice %arg4[%add3A_296, %dma_start3A_299] : memref<320000x128xf32, #tpu.memory_space<hbm>> -> memref<80x128xf32, #tpu.memory_space<hbm>>
        tpu.enqueue_dma source(%arg8 : memref<80x128xf32, #tpu.memory_space<vmem>>) target(%dma_start3A_300 : memref<80x128xf32, #tpu.memory_space<hbm>>) target_semaphore(%arg12 : memref<!tpu.dma_semaphore, #tpu.memory_space<semaphore_mem>>)
      } else {
      }
    }
    %scan3A_229 = arith.constant 117 : i32
    %multiple_of3A_230 = arith.constant 9840 : i32
    %multiple_of3A_231 = tpu.assume_multiple %multiple_of3A_230, 80 : i32
    %add3A_232 = arith.addi %mul3A_2, %multiple_of3A_231 : i32
    %dma_wait3A_233 = arith.constant 0 : i32
    %dma_wait3A_234 = tpu.memref_slice %arg4[%add3A_232, %dma_wait3A_233] : memref<320000x128xf32, #tpu.memory_space<hbm>> -> memref<80x128xf32, #tpu.memory_space<hbm>>
    %dma_wait3A_235 = arith.constant 0 : i32
    %dma_wait3A_236 = tpu.memref_slice %arg4[%add3A_232, %dma_wait3A_235] : memref<320000x128xf32, #tpu.memory_space<hbm>> -> memref<80x128xf32, #tpu.memory_space<hbm>>
    tpu.wait_dma2 semaphore(%arg12 : memref<!tpu.dma_semaphore, #tpu.memory_space<semaphore_mem>>) src(%arg8 : memref<80x128xf32, #tpu.memory_space<vmem>>) dst(%dma_wait3A_236 : memref<80x128xf32, #tpu.memory_space<hbm>>)
    %multiple_of3A_237 = arith.constant 9920 : i32
    %multiple_of3A_238 = tpu.assume_multiple %multiple_of3A_237, 80 : i32
    %add3A_239 = arith.addi %mul3A_2, %multiple_of3A_238 : i32
    %dma_wait3A_240 = arith.constant 0 : i32
    %dma_wait3A_241 = tpu.memref_slice %arg4[%add3A_239, %dma_wait3A_240] : memref<320000x128xf32, #tpu.memory_space<hbm>> -> memref<80x128xf32, #tpu.memory_space<hbm>>
    %dma_wait3A_242 = arith.constant 0 : i32
    %dma_wait3A_243 = tpu.memref_slice %arg4[%add3A_239, %dma_wait3A_242] : memref<320000x128xf32, #tpu.memory_space<hbm>> -> memref<80x128xf32, #tpu.memory_space<hbm>>
    tpu.wait_dma2 semaphore(%arg11 : memref<!tpu.dma_semaphore, #tpu.memory_space<semaphore_mem>>) src(%arg7 : memref<80x128xf32, #tpu.memory_space<vmem>>) dst(%dma_wait3A_243 : memref<80x128xf32, #tpu.memory_space<hbm>>)
    return
  }
}

</mosaic_0001>

<sc_bundles>
// kernel: _gather.3.cloned.1.call-start
scs
__scs_entry_jumppad:
0x0: {  	(pc) =	sbr.rel $0x88, $3  }
0x1: {  	(tag) =	ssettag $0x0;
	lr =	simm.s32 $0x1  }
0x2: {  	[smem:$0x3F9F] =	sst lr;
	_ =	strace $0xD0000000  }
0x3: {  	_ = 	snop  }
0x4: {  	_ = 	snop  }
0x5: {  	_ = 	snop  }
0x6: {  	_ = 	snop  }
0x7: {  	_ = 	snop  }
__scs_overlays_trampoline_lowered:
0x8: {  	[smem:$0x3FAE] =	sst s0  }
0x9: {  	[smem:$0x3FAF] =	sst s1  }
0xa: {  	[smem:$0x3FB0] =	sst s2  }
0xb: {  	[smem:$0x3FB1] =	sst s3  }
0xc: {  	[smem:$0x3FB2] =	sst s4  }
0xd: {  	[smem:$0x3FB3] =	sst s5  }
0xe: {  	[smem:$0x3FB4] =	sst s6  }
0xf: {  	[smem:$0x3FB5] =	sst s7  }
0x10: {  	[smem:$0x3FB6] =	sst s8  }
0x11: {  	[smem:$0x3FB7] =	sst s9;
	s0 =	simm.s32 @!p0 $0x0  }
0x12: {  	s1 =	sld [smem:$0x3F9D];
	s0 =	simm.s32 @p0 $0x1  }
0x13: {  	[smem:$0x3FB8] =	sst s0;
	s0 =	simm.s32 @!p1 $0x0  }
0x14: {  	s2 =	sld [smem:$0x3F9C];
	s0 =	simm.s32 @p1 $0x1  }
0x15: {  	[smem:$0x3FB9] =	sst s0;
	s0 =	simm.s32 @!p2 $0x0  }
0x16: {  	s3 =	sld [smem:$0x3FDB];
	s0 =	simm.s32 @p2 $0x1  }
0x17: {  	s4 =	simm.s32 $0x1BF5;
	[smem:$0x3FBB] =	sst s0  }
0x18: {  	s0 =	sld [smem:$0x3F9E];
	_ =	swait.ge [sflag:s4], $0x0  }
0x19: {  	s7 =	sld [smem:$0x3F9F]  }
0x1a: {  	s8 =	sadd.s32 $0xFFFFE003, lr  }
0x1b: {  	s9 =	sadd.s32 $0xFFFFFEF7, lr;
	s5 =	simm.s32 $0xFFFFFFFF;
	p2 =	slt.u32 s8, $0xFFFFF086  }
0x1c: {  	p1 =	slt.u32 s9, $0xF7A;
	s5 =	simm.s32 @!p2 $0x0  }
0x1d: {  	s5 =	simm.s32 @p1 $0x1;
	p0 =	seq.s32 s7, s2  }
0x1e: {  	s7 =	smul.u32 @!p0 $0xF7A, s2;
	p2 =	seq.s32 @!p0 s5, $0x0  }
0x1f: {  	s9 =	smul.u32 $0xF7A, s1;
	s8 =	simm.s32 @!p0 $0x1BF5;
	p2 =	por !p2, p0  }
0x20: {  	[sflag:s8] =	ssyncset.s32 @!p0 $0xFFFFF086;
	s6 =	sadd.s32 @!p0 s3, s7;
	s7 =	simm.s32 @!p0 $0x108  }
0x21: {  	s3 =	sadd.s32 s3, s9;
	s6 =	sadd.s32 @!p0 $0x88, s6;
	s7 =	simm.s32 @p2 $0x1082  }
0x22: {  	[simem:s7], [sflag:s8] =	dma.local @!p0 [hbm:s6], $0xF7A  }
0x23: {  	s9 =	sor.u32 $0xD0000000, s2;
	s6 =	simm.s32 $0x108;
	_ =	swait.ge @!p0 [sflag:s8], $0x0  }
0x24: {  	s3 =	sadd.s32 $0x88, s3;
	s6 =	simm.s32 @!p1 $0x1082;
	[sflag:s4] =	ssyncset.s32 $0xFFFFF086  }
0x25: {  	[simem:s6], [sflag:s4] =	dma.local [hbm:s3], $0xF7A  }
0x26: {  	[smem:$0x3F9F] =	sst s1;
	(tag) =	ssettag s2;
	_ =	strace s9  }
0x27: {  	s1 =	sld [smem:$0x3FAF]  }
0x28: {  	s2 =	sld [smem:$0x3FB0]  }
0x29: {  	s4 =	sld [smem:$0x3FB2]  }
0x2a: {  	p0 =	seq.s32 s5, $0x0;
	s5 =	sld [smem:$0x3FB3]  }
0x2b: {  	s6 =	sld [smem:$0x3FB4]  }
0x2c: {  	s7 =	sld [smem:$0x3FB5]  }
0x2d: {  	s3 =	simm.s32 $0x108;
	s8 =	sld [smem:$0x3FB6]  }
0x2e: {  	s3 =	simm.s32 @!p0 $0x1082;
	s9 =	sld [smem:$0x3FB7]  }
0x2f: {  	lr =	sadd.s32 s0, s3;
	s0 =	sld [smem:$0x3FAE]  }
0x30: {  	s3 =	sld [smem:$0x3FB1]  }
0x31: {  	[smem:$0x3FBA] =	sst s10  }
0x32: {  	s10 =	sld [smem:$0x3FB8];
	_ =	sdelay $0x3  }
0x33: {  	p0 =	seq.s32 s10, $0x1;
	s10 =	sld [smem:$0x3FBA];
	_ =	sdelay $0x3  }
0x34: {  	[smem:$0x3FBA] =	sst s10  }
0x35: {  	s10 =	sld [smem:$0x3FB9];
	_ =	sdelay $0x3  }
0x36: {  	p1 =	seq.s32 s10, $0x1;
	s10 =	sld [smem:$0x3FBA];
	_ =	sdelay $0x3  }
0x37: {  	[smem:$0x3FBA] =	sst s10  }
0x38: {  	s10 =	sld [smem:$0x3FBB]  }
0x39: {  	_ = 	snop;
	(pc) =	sbr.ind lr, $3  }
0x3a: {  	_ = 	snop  }
0x3b: {  	_ = 	snop  }
0x3c: {  	p2 =	seq.s32 s10, $0x1;
	s10 =	sld [smem:$0x3FBA]  }
0x3d: {  	_ =	shalt  }
0x3e: {  	_ =	shalt  }
0x3f: {  	_ =	shalt  }
0x40: {  	_ =	shalt  }
0x41: {  	_ =	shalt  }
0x42: {  	_ =	shalt  }
0x43: {  	_ =	shalt  }
0x44: {  	_ =	shalt  }
0x45: {  	_ =	shalt  }
0x46: {  	_ =	shalt  }
0x47: {  	_ =	shalt  }
0x48: {  	_ =	shalt  }
0x49: {  	_ =	shalt  }
0x4a: {  	_ =	shalt  }
0x4b: {  	_ =	shalt  }
0x4c: {  	_ =	shalt  }
0x4d: {  	_ =	shalt  }
0x4e: {  	_ =	shalt  }
0x4f: {  	_ =	shalt  }
0x50: {  	_ =	shalt  }
0x51: {  	_ =	shalt  }
0x52: {  	_ =	shalt  }
0x53: {  	_ =	shalt  }
0x54: {  	_ =	shalt  }
0x55: {  	_ =	shalt  }
0x56: {  	_ =	shalt  }
0x57: {  	_ =	shalt  }
0x58: {  	_ =	shalt  }
0x59: {  	_ =	shalt  }
0x5a: {  	_ =	shalt  }
0x5b: {  	_ =	shalt  }
0x5c: {  	_ =	shalt  }
0x5d: {  	_ =	shalt  }
0x5e: {  	_ =	shalt  }
0x5f: {  	_ =	shalt  }
0x60: {  	_ =	shalt  }
0x61: {  	_ =	shalt  }
0x62: {  	_ =	shalt  }
0x63: {  	_ =	shalt  }
0x64: {  	_ =	shalt  }
0x65: {  	_ =	shalt  }
0x66: {  	_ =	shalt  }
0x67: {  	_ =	shalt  }
0x68: {  	_ =	shalt  }
0x69: {  	_ =	shalt  }
0x6a: {  	_ =	shalt  }
0x6b: {  	_ =	shalt  }
0x6c: {  	_ =	shalt  }
0x6d: {  	_ =	shalt  }
0x6e: {  	_ =	shalt  }
0x6f: {  	_ =	shalt  }
0x70: {  	_ =	shalt  }
0x71: {  	_ =	shalt  }
0x72: {  	_ =	shalt  }
0x73: {  	_ =	shalt  }
0x74: {  	_ =	shalt  }
0x75: {  	_ =	shalt  }
0x76: {  	_ =	shalt  }
0x77: {  	_ =	shalt  }
0x78: {  	_ =	shalt  }
0x79: {  	_ =	shalt  }
0x7a: {  	_ =	shalt  }
0x7b: {  	_ =	shalt  }
0x7c: {  	_ =	shalt  }
0x7d: {  	_ =	shalt  }
0x7e: {  	_ =	shalt  }
0x7f: {  	_ =	shalt  }
0x80: {  	_ =	shalt  }
0x81: {  	_ =	shalt  }
0x82: {  	_ =	shalt  }
0x83: {  	_ =	shalt  }
0x84: {  	_ =	shalt  }
0x85: {  	_ =	shalt  }
0x86: {  	_ =	shalt  }
0x87: {  	_ =	shalt  }
.Lfunc_end0:
.L_simem_size_0:
called_computation_lowered:
.L_overlay_start_0:
0x88: {  	s2 =	sld [smem:$0x3FD9]  }
0x89: {  	s3 =	sld [smem:$0x3FFE];
	_ =	sdelay $0x1  }
0x8a: {  	s1 =	srdreg.scid  }
0x8b: {  	s0 =	sand.u32 $0x1, s1  }
0x8c: {  	s18 =	sshll.u32 s0, $0xA;
	s2 =	sadd.s32 s3, s2  }
0x8d: {  	s2 =	sadd.s32 s2, s18  }
0x8e: {  	[smem:$0x3FC6] =	sst s2  }
0x8f: {  	_ = 	snop  }
0x90: {  	s2 =	sld [smem:$0x3FC9]  }
0x91: {  	s19 =	sld [smem:$0x3FC8]  }
0x92: {  	s4 =	sld [smem:$0x3FD0];
	(tm) =	ssettm $0x1  }
0x93: {  	s5 =	sld [smem:$0x3FFB];
	_ =	sdelay $0x3  }
0x94: {  	_ =	strace s5  }
0x95: {  	s5 =	sld [smem:$0x3FFC];
	_ =	sdelay $0x3  }
0x96: {  	_ =	strace s5  }
0x97: {  	s5 =	sld [smem:$0x3FFD];
	_ =	sdelay $0x3  }
0x98: {  	_ =	strace s5  }
0x99: {  	_ =	strace $0x8FFFFFFF  }
0x9a: {  	s20 =	sld [smem:$0x3FDB];
	_ =	sdelay $0x1  }
0x9b: {  	s6 =	simm.s32 $_scs_section_size  }
0x9c: {  	s7 =	simm.s32 $_size__tile_overlayer_lowered;
	s8 =	simm.s32 $_tile_overlayer_lowered  }
0x9d: {  	s23 =	simm.s32 $0x1BFF;
	s22 =	sshll.u32 s8, $0x1;
	s5 =	sadd.s32 s6, s20  }
0x9e: {  	s9 =	simm.s32 $0x0;
	s21 =	sshll.u32 s7, $0x1;
	s7 =	sadd.s32 s22, s5  }
0x9f: {  	[timem:s9], [sflag:s23] =	dma.local [hbm:s7], s21  }
0xa0: {  	_ =	swait.ge [sflag:s23], s21  }
0xa1: {  	s6 =	ssub.s32 $0x0, s21;
	[sflag:s23] =	ssyncset.done $0x0  }
0xa2: {  	[sflag:s23] =	ssyncadd.s32 s6;
	_ =	sdelay $0x1  }
0xa3: {  	s24 =	simm.s32 $0x1B8B  }
0xa4: {  	_ =	swait.ge [sflag:s24], $0x1  }
0xa5: {  	[sflag:s24] =	ssyncset.done $0x0  }
0xa6: {  	s25 =	simm.s32 $0x1B8E;
	[sflag:s24] =	ssyncadd.s32 $0xFFFFFFFF  }
0xa7: {  	s26 =	simm.s32 $execute0_lowered;
	[smem:$0x3FD2] =	sst s25  }
0xa8: {  	s6 =	sshll.u32 s26, $0x1;
	_ =	strace $0x80000046;
	[dreg:$0x1] =	wrdreg $0xFFFFFFFF  }
0xa9: {  	s28 =	simm.s32 $_size_execute0_lowered;
	s5 =	sadd.s32 s5, s6;
	[dreg:$0x0] =	wrdreg $0x0  }
0xaa: {  	s6 =	sshll.u32 s28, $0x1;
	[dreg:$0x2] =	wrdreg s5  }
0xab: {  	[dreg:$0x3] =	wrdreg s6  }
0xac: {  	[dreg:$0x4] =	wrdreg $0xC0  }
0xad: {  	_ =	task [dreg:s9], $0x5FFFF  }
0xae: {  	[dreg:$0x1] =	wrdreg $0xFFFFFFFF  }
0xaf: {  	[dreg:$0x0] =	wrdreg $0x60  }
0xb0: {  	[dreg:$0x2] =	wrdreg s2  }
0xb1: {  	[dreg:$0x3] =	wrdreg s19  }
0xb2: {  	[dreg:$0x4] =	wrdreg s4  }
0xb3: {  	[dreg:$0x5] =	wrdreg $0x27800  }
0xb4: {  	[dreg:$0x6] =	wrdreg $0x9  }
0xb5: {  	_ =	task.clear_ibuf [dreg:s9], $0x7FFFF;
	_ =	strace $0x90000046  }
0xb6: {  	s29 =	simm.s32 $0x9;
	_ =	strace $0x80000048  }
0xb7: {  	_ =	swait.ge [sflag:s29], $0x1  }
0xb8: {  	[sflag:s29] =	ssyncadd.s32 $0xFFFFFFFF  }
0xb9: {  	_ =	strace $0x90000048  }
0xba: {  	_ =	sfence  }
0xbb: {  	s30 =	sld [smem:$0x0];
	_ =	sdelay $0x2  }
0xbc: {  	s31 =	sshll.u32 s1, $0xD;
	s1 =	sshrl.u32 s1, $0x2  }
0xbd: {  	s3 =	sand.u32 $0x4000, s31;
	s1 =	sadd.s32 s1, s30  }
0xbe: {  	s0 =	sor.u32 s3, s0;
	s1 =	sshll.u32 s1, $0x11  }
0xbf: {  	s0 =	sor.u32 s1, s0  }
0xc0: {  	s0 =	sadd.s32 $0x8F2B, s0  }
0xc1: {  	[sflag:s0] =	ssyncadd.remote.s32 $0x1  }
0xc2: {  	_ =	sfence.sel $0xFFFF  }
0xc3: {  	[dreg:$0x0] =	wrdreg $0xFFFFFFFF;
	(pc) =	sbr.abs _section_cstart, $3  }
0xc4: {  	[dreg:$0x1] =	wrdreg $0xFFFFFFFF  }
0xc5: {  	_ =	task.clear_ibuf [dreg:s9], $0x2FFFF;
	_ =	strace $0x9FFFFFFF  }
0xc6: {  	(tm) =	ssettm $0x7FFFFFFF  }
0xc7: {  	_ =	shalt  }
tec
execute0_lowered:
.L_overlay_start_1:
0x0: {  	(tag) =	ssettag $0x1  }
0x1: {  	s0 =	rddreg [dreg:$0x0]  }
0x2: {  	s1 =	rddreg [dreg:$0x1]  }
0x3: {  	s2 =	rddreg [dreg:$0x2]  }
0x4: {  	s4 =	srdreg.scid;
	s13 =	stileid.u32  }
0x5: {  	s3 =	rddreg [dreg:$0x3];
	s28 =	simm.s32 $0x3;
	s30 =	simm.s32 $0x2  }
0x6: {  	s31 =	simm.s32 $0x4;
	s29 =	simm.s32 $0x5;
	s5 =	sand.u32 $0x1, s4  }
0x7: {  	s25 =	sshll.u32 s13, $0x1;
	s4 =	simm.s32 $0x0;
	s10 =	smul.u32 $0x4E000, s13  }
0x8: {  	s26 =	smul.u32 $0x2700, s13;
	s15 =	sshll.u32 s13, $0x6;
	s17 =	sadd.s32 $0x27000, s1  }
0x9: {  	s23 =	smul.u32 $0x4E200, s13;
	p0 =	sne.s32 s13, $0xF;
	s7 =	sor.u32 s5, s25  }
0xa: {  	s6 =	ssub.s32 $0x2, s5;
	[smem:$0x7FF] =	sst s4;
	s5 =	smul.u32 $0x27100, s5  }
0xb: {  	s8 =	smul.u32 $0x2710, s7;
	s9 =	sshrl.u32 s6, $0x1;
	_ =	strace $0x80000047  }
0xc: {  	s14 =	sshrl.u32 s10, $0x2;
	s12 =	smul.u32 $0x138800, s7;
	s10 =	sadd.s32 $0x138000, s3  }
0xd: {  	s7 =	smul.u32 $0x27100, s7;
	[dreg:$0x6] =	wrdreg s17;
	s11 =	ssub.s32 s6, s9  }
0xe: {  	s6 =	sadd.s32 s1, s26;
	s16 =	sshrl.u32 s12, $0x3;
	s8 =	sshrl.u32 s8, $0x3  }
0xf: {  	[dreg:$0x5] =	wrdreg s6;
	s18 =	sadd.s32 s2, s16;
	s0 =	sadd.s32 s0, s8  }
0x10: {  	s19 =	sadd.s32 s14, s3;
	[dreg:$0x7] =	wrdreg s0;
	s20 =	sadd.s32 $0x500, s18  }
0x11: {  	s6 =	sor.u32 $0x1C05, s15;
	s21 =	sadd.s32 $0xA00, s18;
	[dreg:$0x8] =	wrdreg s20  }
0x12: {  	s9 =	sadd.s32 s2, s7;
	s22 =	sadd.s32 $0xF00, s18;
	[dreg:$0x9] =	wrdreg s21  }
0x13: {  	s17 =	smax.u32 s11, $0x1;
	s24 =	sadd.s32 $0x1400, s18;
	[dreg:$0xa] =	wrdreg s22  }
0x14: {  	s25 =	sadd.s32 $0x1900, s18;
	s26 =	sadd.s32 $0x1E00, s18;
	[dreg:$0xb] =	wrdreg s24  }
0x15: {  	s16 =	sadd.s32 $0x2300, s18;
	s0 =	sadd.s32 s23, s2;
	[dreg:$0xc] =	wrdreg s25  }
0x16: {  	s18 =	sadd.s32 $0x26C00, s9;
	s23 =	simm.s32 $0x50;
	[dreg:$0xd] =	wrdreg s26  }
0x17: {  	s0 =	sadd.s32 s5, s0;
	s20 =	sshrl.u32 s19, $0x3;
	s21 =	sshrl.u32 @!p0 s10, $0x3  }
0x18: {  	s22 =	simm.s32 $0x6;
	s24 =	simm.s32 $0x16000;
	s25 =	simm.s32 $0x18800  }
0x19: {  	s26 =	simm.s32 $0x1;
	s8 =	sadd.s32 $0x2800, s0;
	s0 =	simm.s32 $0x0  }
.LBB2_1:
0x1a: {  	s2 =	rddreg [dreg:$0x5]  }
0x1b: {  	[spmem:s20], [sflag:s6] =	dma.local [hbm:s2], $0x2700  }
0x1c: {  	s2 =	rddreg [dreg:$0x6]  }
0x1d: {  	[spmem:s21], [sflag:s6] =	dma.local @!p0 [hbm:s2], $0x100  }
0x1e: {  	s2 =	rddreg [dreg:$0x7]  }
0x1f: {  	[tilespmem:s4], [sflag:$0x6] =	stream.linear.gather [hbm4b:s2+s4], $0x2710, $0x38;
	[tilespmem:$0x1B000] =	vst v63  }
0x20: {  	_ =	swait.ge [sflag:s22], $0x2710  }
0x21: {  	[sflag:s22] =	ssyncset.done $0x0  }
0x22: {  	[sflag:s22] =	ssyncadd.s32 $0xFFFFD8F0  }
0x23: {  	[tilespmem:s24], [sflag:$0x1] =	stream.indirect.gather [hbm4b:s1+s23], $0x80, s4, s23, $0xb8;
	[tilespmem:$0x1B000] =	vst v63  }
0x24: {  	_ = 	snop  }
0x25: {  	[tilespmem:s25], [sflag:$0x2] =	stream.indirect.gather [hbm4b:s1+s23], $0x80, s23, s23, $0xb8;
	[tilespmem:$0x1B000] =	vst v63  }
0x26: {  	_ =	swait.ge [sflag:s26], $0x2800  }
0x27: {  	[sflag:s26] =	ssyncset.done $0x0  }
0x28: {  	[sflag:s26] =	ssyncadd.s32 $0xFFFFD800  }
0x29: {  	[hbm4b:s9+s4] =	stream.linear.scatter [tilespmem:s24], [sflag:$0x3], $0x2800, $0x38;
	[tilespmem:$0x1B000] =	vst v63  }
0x2a: {  	_ =	swait.ge [sflag:s28], $0x2800  }
0x2b: {  	[sflag:s28] =	ssyncset.done $0x0  }
0x2c: {  	s12 =	simm.s32 $0xA0;
	[sflag:s28] =	ssyncadd.s32 $0xFFFFD800  }
0x2d: {  	[tilespmem:s24], [sflag:$0x1] =	stream.indirect.gather [hbm4b:s1+s23], $0x80, s12, s23, $0xb8;
	[tilespmem:$0x1B000] =	vst v63  }
0x2e: {  	_ =	swait.ge [sflag:s30], $0x2800  }
0x2f: {  	[sflag:s30] =	ssyncset.done $0x0  }
0x30: {  	s13 =	rddreg [dreg:$0x8];
	[sflag:s30] =	ssyncadd.s32 $0xFFFFD800  }
0x31: {  	[hbm4b:s13+s4] =	stream.linear.scatter [tilespmem:s25], [sflag:$0x4], $0x2800, $0x38;
	[tilespmem:$0x1B000] =	vst v63  }
0x32: {  	_ =	swait.ge [sflag:s31], $0x2800  }
0x33: {  	[sflag:s31] =	ssyncset.done $0x0  }
0x34: {  	s14 =	simm.s32 $0xF0;
	[sflag:s31] =	ssyncadd.s32 $0xFFFFD800  }
0x35: {  	[tilespmem:s25], [sflag:$0x2] =	stream.indirect.gather [hbm4b:s1+s23], $0x80, s14, s23, $0xb8;
	[tilespmem:$0x1B000] =	vst v63  }
0x36: {  	_ =	swait.ge [sflag:s26], $0x2800  }
0x37: {  	[sflag:s26] =	ssyncset.done $0x0  }
0x38: {  	s15 =	rddreg [dreg:$0x9];
	[sflag:s26] =	ssyncadd.s32 $0xFFFFD800  }
0x39: {  	[hbm4b:s15+s4] =	stream.linear.scatter [tilespmem:s24], [sflag:$0x3], $0x2800, $0x38;
	[tilespmem:$0x1B000] =	vst v63  }
0x3a: {  	_ =	swait.ge [sflag:s28], $0x2800  }
0x3b: {  	[sflag:s28] =	ssyncset.done $0x0  }
0x3c: {  	s19 =	simm.s32 $0x140;
	[sflag:s28] =	ssyncadd.s32 $0xFFFFD800  }
0x3d: {  	[tilespmem:s24], [sflag:$0x1] =	stream.indirect.gather [hbm4b:s1+s23], $0x80, s19, s23, $0xb8;
	[tilespmem:$0x1B000] =	vst v63  }
0x3e: {  	_ =	swait.ge [sflag:s30], $0x2800  }
0x3f: {  	[sflag:s30] =	ssyncset.done $0x0  }
0x40: {  	s5 =	rddreg [dreg:$0xa];
	[sflag:s30] =	ssyncadd.s32 $0xFFFFD800  }
0x41: {  	[hbm4b:s5+s4] =	stream.linear.scatter [tilespmem:s25], [sflag:$0x4], $0x2800, $0x38;
	[tilespmem:$0x1B000] =	vst v63  }
0x42: {  	_ =	swait.ge [sflag:s31], $0x2800  }
0x43: {  	[sflag:s31] =	ssyncset.done $0x0  }
0x44: {  	s7 =	simm.s32 $0x190;
	[sflag:s31] =	ssyncadd.s32 $0xFFFFD800  }
0x45: {  	[tilespmem:s25], [sflag:$0x2] =	stream.indirect.gather [hbm4b:s1+s23], $0x80, s7, s23, $0xb8;
	[tilespmem:$0x1B000] =	vst v63  }
0x46: {  	_ =	swait.ge [sflag:s26], $0x2800  }
0x47: {  	[sflag:s26] =	ssyncset.done $0x0  }
0x48: {  	s10 =	rddreg [dreg:$0xb];
	[sflag:s26] =	ssyncadd.s32 $0xFFFFD800  }
0x49: {  	[hbm4b:s10+s4] =	stream.linear.scatter [tilespmem:s24], [sflag:$0x3], $0x2800, $0x38;
	[tilespmem:$0x1B000] =	vst v63  }
0x4a: {  	_ =	swait.ge [sflag:s28], $0x2800  }
0x4b: {  	[sflag:s28] =	ssyncset.done $0x0  }
0x4c: {  	s11 =	simm.s32 $0x1E0;
	[sflag:s28] =	ssyncadd.s32 $0xFFFFD800  }
0x4d: {  	[tilespmem:s24], [sflag:$0x1] =	stream.indirect.gather [hbm4b:s1+s23], $0x80, s11, s23, $0xb8;
	[tilespmem:$0x1B000] =	vst v63  }
0x4e: {  	_ =	swait.ge [sflag:s30], $0x2800  }
0x4f: {  	[sflag:s30] =	ssyncset.done $0x0  }
0x50: {  	s12 =	rddreg [dreg:$0xc];
	[sflag:s30] =	ssyncadd.s32 $0xFFFFD800  }
0x51: {  	[hbm4b:s12+s4] =	stream.linear.scatter [tilespmem:s25], [sflag:$0x4], $0x2800, $0x38;
	[tilespmem:$0x1B000] =	vst v63  }
0x52: {  	_ =	swait.ge [sflag:s31], $0x2800  }
0x53: {  	[sflag:s31] =	ssyncset.done $0x0  }
0x54: {  	s13 =	simm.s32 $0x230;
	[sflag:s31] =	ssyncadd.s32 $0xFFFFD800  }
0x55: {  	[tilespmem:s25], [sflag:$0x2] =	stream.indirect.gather [hbm4b:s1+s23], $0x80, s13, s23, $0xb8;
	[tilespmem:$0x1B000] =	vst v63  }
0x56: {  	_ =	swait.ge [sflag:s26], $0x2800  }
0x57: {  	[sflag:s26] =	ssyncset.done $0x0  }
0x58: {  	s14 =	rddreg [dreg:$0xd];
	[sflag:s26] =	ssyncadd.s32 $0xFFFFD800  }
0x59: {  	[hbm4b:s14+s4] =	stream.linear.scatter [tilespmem:s24], [sflag:$0x3], $0x2800, $0x38;
	[tilespmem:$0x1B000] =	vst v63  }
0x5a: {  	_ =	swait.ge [sflag:s28], $0x2800  }
0x5b: {  	[sflag:s28] =	ssyncset.done $0x0  }
0x5c: {  	[sflag:s28] =	ssyncadd.s32 $0xFFFFD800  }
0x5d: {  	_ =	swait.ge [sflag:s29], $0x2700  }
0x5e: {  	[sflag:s29] =	ssyncset.done $0x0  }
0x5f: {  	s2 =	simm.s32 @!p0 $0x5;
	[sflag:s29] =	ssyncadd.s32 $0xFFFFD900  }
0x60: {  	_ =	swait.ge @!p0 [sflag:s2], $0x100  }
0x61: {  	[sflag:s2] =	ssyncset.done @!p0 $0x0  }
0x62: {  	[sflag:s2] =	ssyncadd.s32 @!p0 $0xFFFFFF00  }
0x63: {  	s15 =	simm.s32 $0x280;
	s19 =	simm.s32 $0x8;
	[bflag:$0x0] =	sbarrier.arrive $0xFFFF  }
0x64: {  	[tilespmem:s24], [sflag:$0x1] =	stream.indirect.gather [spmem:s3], $0x80, s15, s23, $0xb8;
	[tilespmem:$0x1B000] =	vst v63  }
0x65: {  	s2 =	sand.u32 $0x1, s19;
	_ =	swait.ge [sflag:s30], $0x2800  }
0x66: {  	p1 =	seq.s32 s2, $0x1;
	[sflag:s30] =	ssyncset.done $0x0  }
0x67: {  	s2 =	simm.s32 @p1 $0x3;
	[sflag:s30] =	ssyncadd.s32 $0xFFFFD800  }
0x68: {  	[hbm4b:s16+s4] =	stream.linear.scatter [tilespmem:s25], [sflag:$0x4], $0x2800, $0x38;
	[tilespmem:$0x1B000] =	vst v63  }
0x69: {  	s5 =	simm.s32 $0x2D0;
	_ =	swait.ge @p1 [sflag:s2], $0x2800  }
0x6a: {  	s7 =	simm.s32 @p1 $0x2;
	[sflag:s2] =	ssyncset.done @p1 $0x0;
	p1 =	por p1, p1  }
0x6b: {  	[sflag:s2] =	ssyncadd.s32 @p1 $0xFFFFD800;
	s2 =	simm.s32 @p1 $0x50;
	s10 =	simm.s32 @p1 $0x16000  }
0x6c: {  	[tilespmem:s10], [sflag:$0x1] =	stream.indirect.gather @p1 [spmem:s3], $0x80, s5, s2, $0xb8;
	[tilespmem:$0x1B000] =	vst v63  }
0x6d: {  	_ =	swait.ge @p1 [sflag:s7], $0x2800  }
0x6e: {  	s11 =	simm.s32 $0x9;
	s2 =	simm.s32 @!p1 $0x4;
	[sflag:s7] =	ssyncset.done @p1 $0x0  }
0x6f: {  	s10 =	simm.s32 @p1 $0x18800;
	[sflag:s7] =	ssyncadd.s32 @p1 $0xFFFFD800;
	s7 =	simm.s32 @p1 $0x0  }
0x70: {  	[hbm4b:s8+s7] =	stream.linear.scatter @p1 [tilespmem:s10], [sflag:$0x4], $0x2800, $0x38;
	[tilespmem:$0x1B000] =	vst v63  }
0x71: {  	s12 =	sand.u32 $0x1, s11;
	_ =	swait.ge @!p1 [sflag:s2], $0x2800  }
0x72: {  	p3 =	seq.s32 s12, $0x1;
	[sflag:s2] =	ssyncset.done @!p1 $0x0  }
0x73: {  	s10 =	simm.s32 @!p1 $0x18800;
	[sflag:s2] =	ssyncadd.s32 @!p1 $0xFFFFD800;
	s2 =	simm.s32 @!p1 $0x50  }
0x74: {  	[tilespmem:s10], [sflag:$0x2] =	stream.indirect.gather @!p1 [spmem:s3], $0x80, s5, s2, $0xb8;
	[tilespmem:$0x1B000] =	vst v63  }
0x75: {  	s19 =	smov.u32 s8;
	s11 =	simm.s32 @!p1 $0x16000;
	s10 =	simm.s32 @!p1 $0x1  }
0x76: {  	s12 =	simm.s32 @!p1 $0x0;
	s7 =	simm.s32 $0xA;
	_ =	swait.ge @!p1 [sflag:s10], $0x2800  }
0x77: {  	s5 =	simm.s32 $0x320;
	s2 =	sadd.s32 $0x500, s8;
	[sflag:s10] =	ssyncset.done @!p1 $0x0  }
.LBB2_2:
0x78: {  	s13 =	simm.s32 @p3 $0x3;
	[sflag:s10] =	ssyncadd.s32 @!p1 $0xFFFFD800  }
0x79: {  	s14 =	smov.u32 s7;
	s7 =	sadd.s32 $0x1, s7;
	s15 =	smov.u32 s5  }
0x7a: {  	[hbm4b:s19+s12] =	stream.linear.scatter @!p1 [tilespmem:s11], [sflag:$0x3], $0x2800, $0x38;
	[tilespmem:$0x1B000] =	vst v63  }
0x7b: {  	p2 =	sne.s32 s7, $0x7C;
	s19 =	smov.u32 s2;
	_ =	swait.ge @p3 [sflag:s13], $0x2800  }
0x7c: {  	s10 =	simm.s32 @p3 $0x2;
	p1 =	por p3, p3;
	[sflag:s13] =	ssyncset.done @p3 $0x0  }
0x7d: {  	s11 =	simm.s32 @p1 $0x50;
	s12 =	simm.s32 @p1 $0x16000;
	[sflag:s13] =	ssyncadd.s32 @p1 $0xFFFFD800  }
0x7e: {  	[tilespmem:s12], [sflag:$0x1] =	stream.indirect.gather @p1 [spmem:s3], $0x80, s5, s11, $0xb8;
	[tilespmem:$0x1B000] =	vst v63  }
0x7f: {  	_ =	swait.ge @p1 [sflag:s10], $0x2800  }
0x80: {  	s11 =	simm.s32 @!p1 $0x4;
	[sflag:s10] =	ssyncset.done @p1 $0x0  }
0x81: {  	s12 =	simm.s32 @p1 $0x18800;
	[sflag:s10] =	ssyncadd.s32 @p1 $0xFFFFD800;
	s10 =	simm.s32 @p1 $0x0  }
0x82: {  	[hbm4b:s2+s10] =	stream.linear.scatter @p1 [tilespmem:s12], [sflag:$0x4], $0x2800, $0x38;
	[tilespmem:$0x1B000] =	vst v63  }
0x83: {  	s5 =	sadd.s32 $0x50, s5;
	s2 =	sadd.s32 $0x500, s2;
	_ =	swait.ge @!p1 [sflag:s11], $0x2800  }
.Ltmp0:
0x84: {  	s10 =	simm.s32 @!p1 $0x1;
	[sflag:s11] =	ssyncset.done @!p1 $0x0;
	(pc) =	sbr.rel @p2 .LBB2_2-.Ltmp0, $4  }
0x85: {  	s12 =	simm.s32 @!p1 $0x18800;
	[sflag:s11] =	ssyncadd.s32 @!p1 $0xFFFFD800;
	s11 =	simm.s32 @!p1 $0x50  }
0x86: {  	[tilespmem:s12], [sflag:$0x2] =	stream.indirect.gather @!p1 [spmem:s3], $0x80, s15, s11, $0xb8;
	[tilespmem:$0x1B000] =	vst v63  }
0x87: {  	s12 =	sand.u32 $0x1, s14;
	s11 =	simm.s32 @!p1 $0x16000;
	_ =	swait.ge @!p1 [sflag:s10], $0x2800  }
0x88: {  	p3 =	seq.s32 s12, $0x1;
	s12 =	simm.s32 @!p1 $0x0;
	[sflag:s10] =	ssyncset.done @!p1 $0x0  }
0x89: {  	s7 =	simm.s32 @p3 $0x3;
	[sflag:s10] =	ssyncadd.s32 @!p1 $0xFFFFD800  }
0x8a: {  	[hbm4b:s19+s12] =	stream.linear.scatter @!p1 [tilespmem:s11], [sflag:$0x3], $0x2800, $0x38;
	[tilespmem:$0x1B000] =	vst v63  }
0x8b: {  	_ =	swait.ge @p3 [sflag:s7], $0x2800  }
0x8c: {  	s10 =	simm.s32 @p3 $0x2;
	p1 =	por p3, p3;
	[sflag:s7] =	ssyncset.done @p3 $0x0  }
0x8d: {  	s11 =	simm.s32 @p1 $0x16000;
	[sflag:s7] =	ssyncadd.s32 @p1 $0xFFFFD800;
	s7 =	simm.s32 @p1 $0x50  }
0x8e: {  	[tilespmem:s11], [sflag:$0x1] =	stream.indirect.gather @p1 [spmem:s3], $0x80, s5, s7, $0xb8;
	[tilespmem:$0x1B000] =	vst v63  }
0x8f: {  	_ =	swait.ge @p1 [sflag:s10], $0x2800  }
0x90: {  	s7 =	simm.s32 @!p1 $0x4;
	[sflag:s10] =	ssyncset.done @p1 $0x0  }
0x91: {  	s11 =	simm.s32 @p1 $0x18800;
	[sflag:s10] =	ssyncadd.s32 @p1 $0xFFFFD800;
	s10 =	simm.s32 @p1 $0x0  }
0x92: {  	[hbm4b:s2+s10] =	stream.linear.scatter @p1 [tilespmem:s11], [sflag:$0x4], $0x2800, $0x38;
	[tilespmem:$0x1B000] =	vst v63  }
0x93: {  	_ =	swait.ge @!p1 [sflag:s7], $0x2800  }
0x94: {  	s10 =	simm.s32 @!p1 $0x1;
	[sflag:s7] =	ssyncset.done @!p1 $0x0  }
0x95: {  	s11 =	simm.s32 @!p1 $0x18800;
	[sflag:s7] =	ssyncadd.s32 @!p1 $0xFFFFD800;
	s7 =	simm.s32 @!p1 $0x50  }
0x96: {  	[tilespmem:s11], [sflag:$0x2] =	stream.indirect.gather @!p1 [spmem:s3], $0x80, s5, s7, $0xb8;
	[tilespmem:$0x1B000] =	vst v63  }
0x97: {  	_ =	swait.ge @!p1 [sflag:s10], $0x2800  }
0x98: {  	[sflag:s10] =	ssyncset.done @!p1 $0x0  }
0x99: {  	s5 =	simm.s32 @!p1 $0x16000;
	s7 =	simm.s32 @!p1 $0x0;
	[sflag:s10] =	ssyncadd.s32 @!p1 $0xFFFFD800  }
0x9a: {  	[hbm4b:s2+s7] =	stream.linear.scatter @!p1 [tilespmem:s5], [sflag:$0x3], $0x2800, $0x38;
	[tilespmem:$0x1B000] =	vst v63  }
0x9b: {  	_ =	swait.ge [sflag:s26], $0x2800  }
0x9c: {  	[sflag:s26] =	ssyncset.done $0x0  }
0x9d: {  	s0 =	sadd.s32 $0x1, s0;
	[sflag:s26] =	ssyncadd.s32 $0xFFFFD800  }
0x9e: {  	[hbm4b:s18+s4] =	stream.linear.scatter [tilespmem:s24], [sflag:$0x3], $0x2800, $0x38;
	[tilespmem:$0x1B000] =	vst v63  }
0x9f: {  	p1 =	sne.s32 s0, s17;
	_ =	swait.ge [sflag:s31], $0x2800  }
.Ltmp1:
0xa0: {  	[sflag:s31] =	ssyncset.done $0x0;
	(pc) =	sbr.rel @p1 .LBB2_1-.Ltmp1, $4  }
0xa1: {  	[sflag:s31] =	ssyncadd.s32 $0xFFFFD800  }
0xa2: {  	_ =	swait.ge [sflag:s28], $0x2800  }
0xa3: {  	[sflag:s28] =	ssyncset.done $0x0  }
0xa4: {  	[sflag:s28] =	ssyncadd.s32 $0xFFFFD800  }
0xa5: {  	_ =	sfence.sel $0x180000  }
0xa6: {  	[bflag:$0x0] =	sbarrier.arrive $0xFFFF  }
0xa7: {  	_ =	strace $0x90000047  }
0xa8: {  	s0 =	stileid.u32;
	[bflag:$0x2] =	sbarrier.arrive $0xFFFF  }
0xa9: {  	p0 =	sne.s32 s0, $0x0;
	s0 =	rddreg [dreg:$0x4]  }
0xaa: {  	s0 =	sadd.s32 @!p0 $0x100000, s0  }
0xab: {  	[sflag:s0] =	ssyncadd.tile.s32 @!p0 $0x1;
	_ =	shalt  }
.Lfunc_end2:
_tile_overlayer_lowered:
.L_overlay_start_2:
0xac: {  	(tag) =	ssettag $0x2  }
0xad: {  	s0 =	rddreg [dreg:$0x0];
	s2 =	stileid.u32  }
0xae: {  	s1 =	rddreg [dreg:$0x1];
	p0 =	sne.s32 s2, $0x0  }
0xaf: {  	s3 =	rddreg [dreg:$0x2];
	[bflag:$0x3] =	sbarrier.arrive $0xFFFF;
	s2 =	simm.s32 @!p0 $0x1C06  }
0xb0: {  	[timem:s3], [sflag:s2] =	dma.local @!p0 [hbm:s0], s1  }
0xb1: {  	s0 =	simm.s32 @!p0 $0x6  }
0xb2: {  	_ =	swait.ge @!p0 [sflag:s0], s1  }
0xb3: {  	s1 =	ssub.s32 @!p0 $0x0, s1;
	[sflag:s0] =	ssyncset.done @!p0 $0x0  }
0xb4: {  	[sflag:s0] =	ssyncadd.s32 @!p0 s1  }
0xb5: {  	[bflag:$0x3] =	sbarrier.arrive $0xFFFF  }
0xb6: {  	_ =	shalt  }

</sc_bundles>
